<compile_context>
chip_gen: v7x
topology: tpu7x:2x2x1
jax: 0.10.2.dev20260603
libtpu: 0.0.44.dev20260713+nightly
codegen_flags: <defaults>
</compile_context>

<pallas_src>
import functools

import jax
import jax.numpy as jnp
from jax import lax
from jax.experimental import pallas as pl
from jax.experimental.pallas import tpu as pltpu
from jax.experimental.pallas import tpu_sc as plsc

N = 10000
E = 320000
NC = 2
NT = 16
RPT = 624
NTAIL = N - NT * RPT
CHUNK = 128

_MESH = dict(core_axis_name="c", subcore_axis_name="s")


_ET1 = E // (NC * NT)
_NCH1 = _ET1 // CHUNK
_REM1 = _ET1 - _NCH1 * CHUNK


@functools.partial(
    pl.kernel,
    out_type=jax.ShapeDtypeStruct((NC * N, 16), jnp.float32),
    mesh=plsc.VectorSubcoreMesh(**_MESH),
    scratch_types=[
        pltpu.VMEM_SHARED((N, 16), jnp.float32),
        pltpu.VMEM((CHUNK,), jnp.int32),
        pltpu.VMEM((_REM1,), jnp.int32),
        pltpu.VMEM((CHUNK, 16), jnp.float32),
        pltpu.VMEM((RPT, 16), jnp.float32),
    ],
)
def _deg_sc(dst_hbm, out_hbm, dacc, dst_v, dstT, ones_v, zbuf):
    c = lax.axis_index("c")
    t = lax.axis_index("s")
    one_row = jnp.where(lax.iota(jnp.int32, 16) == 0,
                        jnp.float32(1.0), jnp.float32(0.0))
    zero_row = jnp.zeros((16,), jnp.float32)

    def fill_ones(j, _):
        ones_v[j] = one_row
        return 0

    lax.fori_loop(0, CHUNK, fill_ones, 0)

    def fill_zero(j, _):
        zbuf[j] = zero_row
        return 0

    lax.fori_loop(0, RPT, fill_zero, 0)
    pltpu.sync_copy(zbuf, dacc.at[pl.ds(t * RPT, RPT)])

    @pl.when(t == NT - 1)
    def _():
        pltpu.sync_copy(zbuf.at[pl.ds(0, NTAIL)],
                        dacc.at[pl.ds(NT * RPT, NTAIL)])

    plsc.subcore_barrier()

    base = c * (E // NC) + t * _ET1

    def chunk(i, _):
        pltpu.sync_copy(dst_hbm.at[pl.ds(base + i * CHUNK, CHUNK)], dst_v)
        pltpu.sync_copy(ones_v, dacc.at[dst_v], add=True)
        return 0

    lax.fori_loop(0, _NCH1, chunk, 0)
    pltpu.sync_copy(dst_hbm.at[pl.ds(base + _NCH1 * CHUNK, _REM1)], dstT)
    pltpu.sync_copy(ones_v.at[pl.ds(0, _REM1)], dacc.at[dstT], add=True)
    plsc.subcore_barrier()
    pltpu.sync_copy(dacc.at[pl.ds(t * RPT, RPT)],
                    out_hbm.at[pl.ds(c * N + t * RPT, RPT)])

    @pl.when(t == NT - 1)
    def _():
        pltpu.sync_copy(dacc.at[pl.ds(NT * RPT, NTAIL)],
                        out_hbm.at[pl.ds(c * N + NT * RPT, NTAIL)])


_ET2 = E // NT
_NCH2 = _ET2 // CHUNK
_REM2 = _ET2 - _NCH2 * CHUNK


def _edge_scratch(rem):
    return [
        pltpu.VMEM_SHARED((N, 128), jnp.float32),
        pltpu.VMEM((CHUNK,), jnp.int32),
        pltpu.VMEM((CHUNK,), jnp.int32),
        pltpu.VMEM((CHUNK, 128), jnp.float32),
        pltpu.VMEM((rem,), jnp.int32),
        pltpu.VMEM((rem,), jnp.int32),
        pltpu.VMEM((rem, 128), jnp.float32),
        pltpu.SemaphoreType.DMA,
    ]


@functools.partial(
    pl.kernel,
    out_type=jax.ShapeDtypeStruct((NC * N, 128), jnp.float32),
    mesh=plsc.VectorSubcoreMesh(**_MESH),
    scratch_types=_edge_scratch(_REM1),
)
def _edge_pass_l1(xws_hbm, z_hbm, src_hbm, dst_hbm, out_hbm,
                  acc, src_v, dst_v, rows_v, srcT, dstT, rowsT, sem):
    c = lax.axis_index("c")
    t = lax.axis_index("s")
    r0 = t * RPT

    @pl.when(c == 0)
    def _():
        pltpu.sync_copy(xws_hbm.at[pl.ds(r0, RPT)], acc.at[pl.ds(r0, RPT)])

        @pl.when(t == NT - 1)
        def _():
            pltpu.sync_copy(xws_hbm.at[pl.ds(NT * RPT, NTAIL)],
                            acc.at[pl.ds(NT * RPT, NTAIL)])

    @pl.when(c == 1)
    def _():
        pltpu.sync_copy(z_hbm.at[pl.ds(r0, RPT)], acc.at[pl.ds(r0, RPT)])

        @pl.when(t == NT - 1)
        def _():
            pltpu.sync_copy(z_hbm.at[pl.ds(NT * RPT, NTAIL)],
                            acc.at[pl.ds(NT * RPT, NTAIL)])

    plsc.subcore_barrier()
    base = c * (E // NC) + t * _ET1

    def chunk(i, _):
        eb = base + i * CHUNK
        pltpu.sync_copy(src_hbm.at[pl.ds(eb, CHUNK)], src_v)
        pltpu.sync_copy(dst_hbm.at[pl.ds(eb, CHUNK)], dst_v)
        pltpu.async_copy(xws_hbm.at[src_v], rows_v, sem).wait()
        pltpu.sync_copy(rows_v, acc.at[dst_v], add=True)
        return 0

    lax.fori_loop(0, _NCH1, chunk, 0)
    eb = base + _NCH1 * CHUNK
    pltpu.sync_copy(src_hbm.at[pl.ds(eb, _REM1)], srcT)
    pltpu.sync_copy(dst_hbm.at[pl.ds(eb, _REM1)], dstT)
    pltpu.async_copy(xws_hbm.at[srcT], rowsT, sem).wait()
    pltpu.sync_copy(rowsT, acc.at[dstT], add=True)
    plsc.subcore_barrier()
    pltpu.sync_copy(acc.at[pl.ds(r0, RPT)],
                    out_hbm.at[pl.ds(c * N + r0, RPT)])

    @pl.when(t == NT - 1)
    def _():
        pltpu.sync_copy(acc.at[pl.ds(NT * RPT, NTAIL)],
                        out_hbm.at[pl.ds(c * N + NT * RPT, NTAIL)])


@functools.partial(
    pl.kernel,
    out_type=jax.ShapeDtypeStruct((NC * N, 128), jnp.float32),
    mesh=plsc.VectorSubcoreMesh(**_MESH),
    scratch_types=_edge_scratch(_REM2),
)
def _edge_pass_l2(xa_hbm, xb_hbm, src_hbm, dst_hbm, out_hbm,
                  acc, src_v, dst_v, rows_v, srcT, dstT, rowsT, sem):
    c = lax.axis_index("c")
    t = lax.axis_index("s")
    r0 = t * RPT

    @pl.when(c == 0)
    def _():
        pltpu.sync_copy(xa_hbm.at[pl.ds(r0, RPT)], acc.at[pl.ds(r0, RPT)])

        @pl.when(t == NT - 1)
        def _():
            pltpu.sync_copy(xa_hbm.at[pl.ds(NT * RPT, NTAIL)],
                            acc.at[pl.ds(NT * RPT, NTAIL)])

    @pl.when(c == 1)
    def _():
        pltpu.sync_copy(xb_hbm.at[pl.ds(r0, RPT)], acc.at[pl.ds(r0, RPT)])

        @pl.when(t == NT - 1)
        def _():
            pltpu.sync_copy(xb_hbm.at[pl.ds(NT * RPT, NTAIL)],
                            acc.at[pl.ds(NT * RPT, NTAIL)])

    plsc.subcore_barrier()
    base = t * _ET2

    def _run(table):
        def chunk(i, _):
            eb = base + i * CHUNK
            pltpu.sync_copy(src_hbm.at[pl.ds(eb, CHUNK)], src_v)
            pltpu.sync_copy(dst_hbm.at[pl.ds(eb, CHUNK)], dst_v)
            pltpu.async_copy(table.at[src_v], rows_v, sem).wait()
            pltpu.sync_copy(rows_v, acc.at[dst_v], add=True)
            return 0

        lax.fori_loop(0, _NCH2, chunk, 0)
        eb = base + _NCH2 * CHUNK
        pltpu.sync_copy(src_hbm.at[pl.ds(eb, _REM2)], srcT)
        pltpu.sync_copy(dst_hbm.at[pl.ds(eb, _REM2)], dstT)
        pltpu.async_copy(table.at[srcT], rowsT, sem).wait()
        pltpu.sync_copy(rowsT, acc.at[dstT], add=True)

    @pl.when(c == 0)
    def _():
        _run(xa_hbm)

    @pl.when(c == 1)
    def _():
        _run(xb_hbm)

    plsc.subcore_barrier()
    pltpu.sync_copy(acc.at[pl.ds(r0, RPT)],
                    out_hbm.at[pl.ds(c * N + r0, RPT)])

    @pl.when(t == NT - 1)
    def _():
        pltpu.sync_copy(acc.at[pl.ds(NT * RPT, NTAIL)],
                        out_hbm.at[pl.ds(c * N + NT * RPT, NTAIL)])


_JPT = 1024 // (NC * NT)


@functools.partial(
    pl.kernel,
    out_type=jax.ShapeDtypeStruct((1024,), jnp.float32),
    mesh=plsc.VectorSubcoreMesh(**_MESH),
    scratch_types=[
        pltpu.VMEM((N,), jnp.float32),
        pltpu.VMEM((_JPT,), jnp.int32),
        pltpu.VMEM((_JPT,), jnp.float32),
    ],
    compiler_params=pltpu.CompilerParams(needs_layout_passes=False),
)
def _join_sc(y_hbm, join_hbm, out_hbm, ybuf, jv, res):
    c = lax.axis_index("c")
    t = lax.axis_index("s")
    wid = t * NC + c
    pltpu.sync_copy(y_hbm, ybuf)
    pltpu.sync_copy(join_hbm.at[pl.ds(wid * _JPT, _JPT)], jv)
    for k in range(_JPT // 16):
        idx = jv[pl.ds(k * 16, 16)]
        v = plsc.load_gather(ybuf, [idx])
        res[pl.ds(k * 16, 16)] = 1.0 / (1.0 + jnp.exp(-v))
    pltpu.sync_copy(res, out_hbm.at[pl.ds(wid * _JPT, _JPT)])


_BR = 1000
_GR = N // _BR


def _dinv_of(deg_blk):
    deg = deg_blk[0, :, 0] + deg_blk[1, :, 0] + 1.0
    return lax.rsqrt(deg)


def _mm1_body(x_ref, w1_ref, deg_ref, o_ref):
    dinv = _dinv_of(deg_ref[...])
    xw = jnp.dot(x_ref[...], w1_ref[...], preferred_element_type=jnp.float32)
    o_ref[...] = xw * dinv[:, None]


def _mm2_body(o1_ref, deg_ref, b1_ref, w2_ref, o_ref):
    dinv = _dinv_of(deg_ref[...])
    h = (o1_ref[0] + o1_ref[1]) * dinv[:, None]
    h = jnp.maximum(h + b1_ref[0], 0.0)
    xw = jnp.dot(h, w2_ref[...], preferred_element_type=jnp.float32)
    o_ref[...] = xw * dinv[:, None]


def _mm3_body(o2_ref, deg_ref, b2_ref, w3_ref, b3_ref, y_ref):
    dinv = _dinv_of(deg_ref[...])
    h = jnp.concatenate([o2_ref[0], o2_ref[1]], axis=1) * dinv[:, None]
    h = h + b2_ref[0]
    y = jnp.dot(h, w3_ref[...], preferred_element_type=jnp.float32)
    y_ref[...] = y + b3_ref[0, 0]


def _mm1(x, w1, deg2):
    return pl.pallas_call(
        _mm1_body,
        grid=(_GR,),
        in_specs=[
            pl.BlockSpec((_BR, 128), lambda i: (i, 0)),
            pl.BlockSpec((128, 128), lambda i: (0, 0)),
            pl.BlockSpec((NC, _BR, 16), lambda i: (0, i, 0)),
        ],
        out_specs=pl.BlockSpec((_BR, 128), lambda i: (i, 0)),
        out_shape=jax.ShapeDtypeStruct((N, 128), jnp.float32),
    )(x, w1, deg2)


def _mm2(out1, deg2, b1, w2):
    return pl.pallas_call(
        _mm2_body,
        grid=(_GR, NC),
        in_specs=[
            pl.BlockSpec((NC, _BR, 128), lambda i, c: (0, i, 0)),
            pl.BlockSpec((NC, _BR, 16), lambda i, c: (0, i, 0)),
            pl.BlockSpec((1, 128), lambda i, c: (0, 0)),
            pl.BlockSpec((128, 128), lambda i, c: (0, c)),
        ],
        out_specs=pl.BlockSpec((_BR, 128), lambda i, c: (c * _GR + i, 0)),
        out_shape=jax.ShapeDtypeStruct((NC * N, 128), jnp.float32),
    )(out1, deg2, b1, w2)


def _mm3(out2, deg2, b2, w3, b3):
    return pl.pallas_call(
        _mm3_body,
        grid=(_GR,),
        in_specs=[
            pl.BlockSpec((NC, _BR, 128), lambda i: (0, i, 0)),
            pl.BlockSpec((NC, _BR, 16), lambda i: (0, i, 0)),
            pl.BlockSpec((1, 256), lambda i: (0, 0)),
            pl.BlockSpec((256, 1), lambda i: (0, 0)),
            pl.BlockSpec((1, 1), lambda i: (0, 0)),
        ],
        out_specs=pl.BlockSpec((_BR, 1), lambda i: (i, 0)),
        out_shape=jax.ShapeDtypeStruct((N, 1), jnp.float32),
    )(out2, deg2, b2, w3, b3)


def kernel(x, edge_index, join_index, W1, b1, W2, b2, W3, b3):
    src = edge_index[0].astype(jnp.int32)
    dst = edge_index[1].astype(jnp.int32)
    join = join_index.astype(jnp.int32)

    deg2 = _deg_sc(dst).reshape(NC, N, 16)
    xws1 = _mm1(x, W1, deg2)
    zeros = jnp.zeros((N, 128), jnp.float32)
    out1 = _edge_pass_l1(xws1, zeros, src, dst).reshape(NC, N, 128)
    xws2 = _mm2(out1, deg2, b1.reshape(1, 128), W2)
    out2 = _edge_pass_l2(xws2[:N], xws2[N:], src, dst).reshape(NC, N, 128)
    y = _mm3(out2, deg2, b2.reshape(1, 256), W3, b3.reshape(1, 1))
    z = _join_sc(y.reshape(N), join)
    return z.reshape(1024, 1)

# --- scband reference (transcript-rebuilt; emitter-appended) ---
"""Pipeline reference for scband-gnn-16140487098561 (READ-ONLY COPY).

The authoritative reference and input builder live on the scoring server;
editing this copy changes nothing except your own understanding.
"""

import jax, jax.numpy as jnp
import numpy as np

N = 10000
E = 320000
D_IN = 128
H = 128
B_JOIN = 1024


def setup_inputs(seed: int = 0) -> dict:
    key = jax.random.key(seed)
    ks = jax.random.split(key, 10)
    x = jax.random.normal(ks[0], (N, D_IN), dtype=jnp.float32)
    edge_index = jax.random.randint(ks[1], (2, E), 0, N)
    join_index = jax.random.randint(ks[2], (B_JOIN,), 0, N)
    W1 = jax.random.normal(ks[3], (D_IN, H), dtype=jnp.float32) * (1.0 / np.sqrt(D_IN))
    b1 = jnp.zeros((H,), dtype=jnp.float32)
    W2 = jax.random.normal(ks[4], (H, 2 * H), dtype=jnp.float32) * (1.0 / np.sqrt(H))
    b2 = jnp.zeros((2 * H,), dtype=jnp.float32)
    W3 = jax.random.normal(ks[5], (2 * H, 1), dtype=jnp.float32) * (1.0 / np.sqrt(2 * H))
    b3 = jnp.zeros((1,), dtype=jnp.float32)
    return {"x": x, "edge_index": edge_index, "join_index": join_index,
            "W1": W1, "b1": b1, "W2": W2, "b2": b2, "W3": W3, "b3": b3}


def gcn_conv(x, edge_index, W, b):
    # PyG GCNConv: add self-loops, symmetric normalization, linear, scatter-add, bias
    n = x.shape[0]
    loop = jnp.arange(n)
    src = jnp.concatenate([edge_index[0], loop])
    dst = jnp.concatenate([edge_index[1], loop])
    deg = jnp.zeros((n,), x.dtype).at[dst].add(1.0)
    dinv = jnp.where(deg > 0, jax.lax.rsqrt(jnp.maximum(deg, 1e-12)), 0.0)
    norm = dinv[src] * dinv[dst]
    xw = x @ W
    msg = jnp.take(xw, src, axis=0) * norm[:, None]
    out = jnp.zeros((n, xw.shape[1]), xw.dtype).at[dst].add(msg)
    return out + b


def reference(x, edge_index, join_index, W1, b1, W2, b2, W3, b3):
    h = jax.nn.relu(gcn_conv(x, edge_index, W1, b1))
    h = gcn_conv(h, edge_index, W2, b2)
    # dropout p=0.5 is identity in eval mode
    out = jnp.take(h, join_index, axis=0) @ W3 + b3
    return jax.nn.sigmoid(out)

if __name__ == "__main__":
    import jax
    _d = setup_inputs()
    print(jax.jit(kernel)(*tuple(_d.values())))

</pallas_src>

<mosaic_0001>
#map = affine_map<(d0, d1) -> (0)>
module attributes {stable_mosaic.version = 14 : i64} {
  func.func @_join_sc(%arg0: i32, %arg1: i32, %arg2: memref<10000xf32, #tpu.memory_space<hbm>>, %arg3: memref<1024xi32, #tpu.memory_space<hbm>>, %arg4: memref<1024xf32, #tpu.memory_space<hbm>>, %arg5: memref<10000xf32, #tpu.memory_space<vmem>>, %arg6: memref<32xi32, #tpu.memory_space<vmem>>, %arg7: memref<32xf32, #tpu.memory_space<vmem>>) attributes {dimension_semantics = [#tpu.dimension_semantics<core_parallel>, #tpu.dimension_semantics<subcore_parallel>], iteration_bounds = array<i64: 2, 16>, scalar_prefetch = 0 : i64, scratch_operands = 3 : i64, tpu.core_type = #tpu.core_type<sc_vector_subcore>, window_params = [{transform_indices = #map}, {transform_indices = #map}, {transform_indices = #map}]} {
    %mul3A = arith.constant 2 : i32
    %mul3A_0 = arith.muli %arg1, %mul3A : i32
    %add3A = arith.addi %mul3A_0, %arg0 : i32
    "tpu.region"() ({
      %run_scoped3A = tpu.sem_alloc : memref<!tpu.dma_semaphore, #tpu.memory_space<semaphore_mem>>
      tpu.enqueue_dma source(%arg2 : memref<10000xf32, #tpu.memory_space<hbm>>) target(%arg5 : memref<10000xf32, #tpu.memory_space<vmem>>) target_semaphore(%run_scoped3A : memref<!tpu.dma_semaphore, #tpu.memory_space<semaphore_mem>>)
      tpu.wait_dma2 semaphore(%run_scoped3A : memref<!tpu.dma_semaphore, #tpu.memory_space<semaphore_mem>>) src(%arg2 : memref<10000xf32, #tpu.memory_space<hbm>>) dst(%arg5 : memref<10000xf32, #tpu.memory_space<vmem>>)
      tpu.yield
    }) : () -> ()
    %mul3A_1 = arith.constant 32 : i32
    %mul3A_2 = arith.muli %add3A, %mul3A_1 : i32
    "tpu.region"() ({
      %run_scoped3A = tpu.sem_alloc : memref<!tpu.dma_semaphore, #tpu.memory_space<semaphore_mem>>
      %dma_start3A = tpu.memref_slice %arg3[%mul3A_2] : memref<1024xi32, #tpu.memory_space<hbm>> -> memref<32xi32, #tpu.memory_space<hbm>>
      %dma_start3A_29 = tpu.memref_slice %arg3[%mul3A_2] : memref<1024xi32, #tpu.memory_space<hbm>> -> memref<32xi32, #tpu.memory_space<hbm>>
      tpu.enqueue_dma source(%dma_start3A_29 : memref<32xi32, #tpu.memory_space<hbm>>) target(%arg6 : memref<32xi32, #tpu.memory_space<vmem>>) target_semaphore(%run_scoped3A : memref<!tpu.dma_semaphore, #tpu.memory_space<semaphore_mem>>)
      %dma_wait3A = tpu.memref_slice %arg3[%mul3A_2] : memref<1024xi32, #tpu.memory_space<hbm>> -> memref<32xi32, #tpu.memory_space<hbm>>
      %dma_wait3A_30 = tpu.memref_slice %arg3[%mul3A_2] : memref<1024xi32, #tpu.memory_space<hbm>> -> memref<32xi32, #tpu.memory_space<hbm>>
      tpu.wait_dma2 semaphore(%run_scoped3A : memref<!tpu.dma_semaphore, #tpu.memory_space<semaphore_mem>>) src(%dma_wait3A_30 : memref<32xi32, #tpu.memory_space<hbm>>) dst(%arg6 : memref<32xi32, #tpu.memory_space<vmem>>)
      tpu.yield
    }) : () -> ()
    %get3A = arith.constant 0 : index
    %get3A_3 = tpu.vector_load %arg6[%get3A] {strides = array<i32>} : memref<32xi32, #tpu.memory_space<vmem>>, vector<16xi32>,
    %gather3A = tpu.vector_load_idx %arg5[%get3A_3] : memref<10000xf32, #tpu.memory_space<vmem>>[vector<16xi32>], vector<16xf32>,
    %neg3A = arith.constant 0.000000e+00 : f32
    %neg3A_4 = vector.broadcast %neg3A : f32 to vector<16xf32>
    %neg3A_5 = arith.subf %neg3A_4, %gather3A : vector<16xf32>
    %exp3A = math.exp %neg3A_5 : vector<16xf32>
    %add3A_6 = arith.constant 1.000000e+00 : f32
    %add3A_7 = vector.broadcast %add3A_6 : f32 to vector<16xf32>
    %add3A_8 = arith.addf %add3A_7, %exp3A : vector<16xf32>
    %div3A = arith.constant 1.000000e+00 : f32
    %div3A_9 = vector.broadcast %div3A : f32 to vector<16xf32>
    %div3A_10 = arith.divf %div3A_9, %add3A_8 : vector<16xf32>
    %swap3A = arith.constant 0 : index
    %swap3A_11 = tpu.vector_load %arg7[%swap3A] {strides = array<i32>} : memref<32xf32, #tpu.memory_space<vmem>>, vector<16xf32>,
    tpu.vector_store %arg7[%swap3A], %div3A_10 {strides = array<i32>} : memref<32xf32, #tpu.memory_space<vmem>>, vector<16xf32>,
    %get3A_12 = arith.constant 16 : index
    %get3A_13 = tpu.vector_load %arg6[%get3A_12] {strides = array<i32>} : memref<32xi32, #tpu.memory_space<vmem>>, vector<16xi32>,
    %gather3A_14 = tpu.vector_load_idx %arg5[%get3A_13] : memref<10000xf32, #tpu.memory_space<vmem>>[vector<16xi32>], vector<16xf32>,
    %neg3A_15 = arith.constant 0.000000e+00 : f32
    %neg3A_16 = vector.broadcast %neg3A_15 : f32 to vector<16xf32>
    %neg3A_17 = arith.subf %neg3A_16, %gather3A_14 : vector<16xf32>
    %exp3A_18 = math.exp %neg3A_17 : vector<16xf32>
    %add3A_19 = arith.constant 1.000000e+00 : f32
    %add3A_20 = vector.broadcast %add3A_19 : f32 to vector<16xf32>
    %add3A_21 = arith.addf %add3A_20, %exp3A_18 : vector<16xf32>
    %div3A_22 = arith.constant 1.000000e+00 : f32
    %div3A_23 = vector.broadcast %div3A_22 : f32 to vector<16xf32>
    %div3A_24 = arith.divf %div3A_23, %add3A_21 : vector<16xf32>
    %swap3A_25 = arith.constant 16 : index
    %swap3A_26 = tpu.vector_load %arg7[%swap3A_25] {strides = array<i32>} : memref<32xf32, #tpu.memory_space<vmem>>, vector<16xf32>,
    tpu.vector_store %arg7[%swap3A_25], %div3A_24 {strides = array<i32>} : memref<32xf32, #tpu.memory_space<vmem>>, vector<16xf32>,
    %mul3A_27 = arith.constant 32 : i32
    %mul3A_28 = arith.muli %add3A, %mul3A_27 : i32
    "tpu.region"() ({
      %run_scoped3A = tpu.sem_alloc : memref<!tpu.dma_semaphore, #tpu.memory_space<semaphore_mem>>
      %dma_start3A = tpu.memref_slice %arg4[%mul3A_28] : memref<1024xf32, #tpu.memory_space<hbm>> -> memref<32xf32, #tpu.memory_space<hbm>>
      %dma_start3A_29 = tpu.memref_slice %arg4[%mul3A_28] : memref<1024xf32, #tpu.memory_space<hbm>> -> memref<32xf32, #tpu.memory_space<hbm>>
      tpu.enqueue_dma source(%arg7 : memref<32xf32, #tpu.memory_space<vmem>>) target(%dma_start3A_29 : memref<32xf32, #tpu.memory_space<hbm>>) target_semaphore(%run_scoped3A : memref<!tpu.dma_semaphore, #tpu.memory_space<semaphore_mem>>)
      %dma_wait3A = tpu.memref_slice %arg4[%mul3A_28] : memref<1024xf32, #tpu.memory_space<hbm>> -> memref<32xf32, #tpu.memory_space<hbm>>
      %dma_wait3A_30 = tpu.memref_slice %arg4[%mul3A_28] : memref<1024xf32, #tpu.memory_space<hbm>> -> memref<32xf32, #tpu.memory_space<hbm>>
      tpu.wait_dma2 semaphore(%run_scoped3A : memref<!tpu.dma_semaphore, #tpu.memory_space<semaphore_mem>>) src(%arg7 : memref<32xf32, #tpu.memory_space<vmem>>) dst(%dma_wait3A_30 : memref<32xf32, #tpu.memory_space<hbm>>)
      tpu.yield
    }) : () -> ()
    return
  }
}

#map = affine_map<(d0, d1) -> (0, 0)>
#map1 = affine_map<(d0, d1) -> (0)>
module attributes {stable_mosaic.version = 14 : i64} {
  func.func @_edge_pass_l1(%arg0: i32, %arg1: i32, %arg2: memref<10000x128xf32, #tpu.memory_space<hbm>>, %arg3: memref<10000x128xf32, #tpu.memory_space<hbm>>, %arg4: memref<320000xi32, #tpu.memory_space<hbm>>, %arg5: memref<320000xi32, #tpu.memory_space<hbm>>, %arg6: memref<20000x128xf32, #tpu.memory_space<hbm>>, %arg7: memref<10000x128xf32, #tpu.memory_space<vmem_shared>>, %arg8: memref<128xi32, #tpu.memory_space<vmem>>, %arg9: memref<128xi32, #tpu.memory_space<vmem>>, %arg10: memref<128x128xf32, #tpu.memory_space<vmem>>, %arg11: memref<16xi32, #tpu.memory_space<vmem>>, %arg12: memref<16xi32, #tpu.memory_space<vmem>>, %arg13: memref<16x128xf32, #tpu.memory_space<vmem>>, %arg14: memref<!tpu.dma_semaphore, #tpu.memory_space<semaphore_mem>>) attributes {dimension_semantics = [#tpu.dimension_semantics<core_parallel>, #tpu.dimension_semantics<subcore_parallel>], iteration_bounds = array<i64: 2, 16>, scalar_prefetch = 0 : i64, scratch_operands = 8 : i64, tpu.core_type = #tpu.core_type<sc_vector_subcore>, window_params = [{transform_indices = #map}, {transform_indices = #map}, {transform_indices = #map1}, {transform_indices = #map1}, {transform_indices = #map}]} {
    %mul3A = arith.constant 624 : i32
    %mul3A_0 = arith.muli %arg1, %mul3A : i32
    %eq3A = arith.constant 0 : i32
    %eq3A_1 = arith.cmpi eq, %arg0, %eq3A : i32
    %convert_element_type3A = arith.extui %eq3A_1 : i1 to i32
    %cond3A = arith.constant 0 : i32
    %cond3A_2 = arith.cmpi ne, %convert_element_type3A, %cond3A : i32
    scf.if %cond3A_2 {
      "tpu.region"() ({
        %run_scoped3A = tpu.sem_alloc : memref<!tpu.dma_semaphore, #tpu.memory_space<semaphore_mem>>
        %dma_start3A_38 = arith.constant 0 : i32
        %dma_start3A_39 = tpu.memref_slice %arg7[%mul3A_0, %dma_start3A_38] : memref<10000x128xf32, #tpu.memory_space<vmem_shared>> -> memref<624x128xf32, #tpu.memory_space<vmem_shared>>
        %dma_start3A_40 = arith.constant 0 : i32
        %dma_start3A_41 = tpu.memref_slice %arg2[%mul3A_0, %dma_start3A_40] : memref<10000x128xf32, #tpu.memory_space<hbm>> -> memref<624x128xf32, #tpu.memory_space<hbm>>
        tpu.enqueue_dma source(%dma_start3A_41 : memref<624x128xf32, #tpu.memory_space<hbm>>) target(%dma_start3A_39 : memref<624x128xf32, #tpu.memory_space<vmem_shared>>) target_semaphore(%run_scoped3A : memref<!tpu.dma_semaphore, #tpu.memory_space<semaphore_mem>>)
        %dma_wait3A_42 = arith.constant 0 : i32
        %dma_wait3A_43 = tpu.memref_slice %arg7[%mul3A_0, %dma_wait3A_42] : memref<10000x128xf32, #tpu.memory_space<vmem_shared>> -> memref<624x128xf32, #tpu.memory_space<vmem_shared>>
        %dma_wait3A_44 = arith.constant 0 : i32
        %dma_wait3A_45 = tpu.memref_slice %arg2[%mul3A_0, %dma_wait3A_44] : memref<10000x128xf32, #tpu.memory_space<hbm>> -> memref<624x128xf32, #tpu.memory_space<hbm>>
        tpu.wait_dma2 semaphore(%run_scoped3A : memref<!tpu.dma_semaphore, #tpu.memory_space<semaphore_mem>>) src(%dma_wait3A_45 : memref<624x128xf32, #tpu.memory_space<hbm>>) dst(%dma_wait3A_43 : memref<624x128xf32, #tpu.memory_space<vmem_shared>>)
        tpu.yield
      }) : () -> ()
      %eq3A_33 = arith.constant 15 : i32
      %eq3A_34 = arith.cmpi eq, %arg1, %eq3A_33 : i32
      %convert_element_type3A_35 = arith.extui %eq3A_34 : i1 to i32
      %cond3A_36 = arith.constant 0 : i32
      %cond3A_37 = arith.cmpi ne, %convert_element_type3A_35, %cond3A_36 : i32
      scf.if %cond3A_37 {
        "tpu.region"() ({
          %run_scoped3A = tpu.sem_alloc : memref<!tpu.dma_semaphore, #tpu.memory_space<semaphore_mem>>
          %dma_start3A_38 = arith.constant 9984 : i32
          %dma_start3A_39 = arith.constant 0 : i32
          %dma_start3A_40 = tpu.memref_slice %arg7[%dma_start3A_38, %dma_start3A_39] : memref<10000x128xf32, #tpu.memory_space<vmem_shared>> -> memref<16x128xf32, #tpu.memory_space<vmem_shared>>
          %dma_start3A_41 = arith.constant 9984 : i32
          %dma_start3A_42 = arith.constant 0 : i32
          %dma_start3A_43 = tpu.memref_slice %arg2[%dma_start3A_41, %dma_start3A_42] : memref<10000x128xf32, #tpu.memory_space<hbm>> -> memref<16x128xf32, #tpu.memory_space<hbm>>
          tpu.enqueue_dma source(%dma_start3A_43 : memref<16x128xf32, #tpu.memory_space<hbm>>) target(%dma_start3A_40 : memref<16x128xf32, #tpu.memory_space<vmem_shared>>) target_semaphore(%run_scoped3A : memref<!tpu.dma_semaphore, #tpu.memory_space<semaphore_mem>>)
          %dma_wait3A_44 = arith.constant 9984 : i32
          %dma_wait3A_45 = arith.constant 0 : i32
          %dma_wait3A_46 = tpu.memref_slice %arg7[%dma_wait3A_44, %dma_wait3A_45] : memref<10000x128xf32, #tpu.memory_space<vmem_shared>> -> memref<16x128xf32, #tpu.memory_space<vmem_shared>>
          %dma_wait3A_47 = arith.constant 9984 : i32
          %dma_wait3A_48 = arith.constant 0 : i32
          %dma_wait3A_49 = tpu.memref_slice %arg2[%dma_wait3A_47, %dma_wait3A_48] : memref<10000x128xf32, #tpu.memory_space<hbm>> -> memref<16x128xf32, #tpu.memory_space<hbm>>
          tpu.wait_dma2 semaphore(%run_scoped3A : memref<!tpu.dma_semaphore, #tpu.memory_space<semaphore_mem>>) src(%dma_wait3A_49 : memref<16x128xf32, #tpu.memory_space<hbm>>) dst(%dma_wait3A_46 : memref<16x128xf32, #tpu.memory_space<vmem_shared>>)
          tpu.yield
        }) : () -> ()
      } else {
      }
    } else {
    }
    %eq3A_3 = arith.constant 1 : i32
    %eq3A_4 = arith.cmpi eq, %arg0, %eq3A_3 : i32
    %convert_element_type3A_5 = arith.extui %eq3A_4 : i1 to i32
    %cond3A_6 = arith.constant 0 : i32
    %cond3A_7 = arith.cmpi ne, %convert_element_type3A_5, %cond3A_6 : i32
    scf.if %cond3A_7 {
      "tpu.region"() ({
        %run_scoped3A = tpu.sem_alloc : memref<!tpu.dma_semaphore, #tpu.memory_space<semaphore_mem>>
        %dma_start3A_38 = arith.constant 0 : i32
        %dma_start3A_39 = tpu.memref_slice %arg7[%mul3A_0, %dma_start3A_38] : memref<10000x128xf32, #tpu.memory_space<vmem_shared>> -> memref<624x128xf32, #tpu.memory_space<vmem_shared>>
        %dma_start3A_40 = arith.constant 0 : i32
        %dma_start3A_41 = tpu.memref_slice %arg3[%mul3A_0, %dma_start3A_40] : memref<10000x128xf32, #tpu.memory_space<hbm>> -> memref<624x128xf32, #tpu.memory_space<hbm>>
        tpu.enqueue_dma source(%dma_start3A_41 : memref<624x128xf32, #tpu.memory_space<hbm>>) target(%dma_start3A_39 : memref<624x128xf32, #tpu.memory_space<vmem_shared>>) target_semaphore(%run_scoped3A : memref<!tpu.dma_semaphore, #tpu.memory_space<semaphore_mem>>)
        %dma_wait3A_42 = arith.constant 0 : i32
        %dma_wait3A_43 = tpu.memref_slice %arg7[%mul3A_0, %dma_wait3A_42] : memref<10000x128xf32, #tpu.memory_space<vmem_shared>> -> memref<624x128xf32, #tpu.memory_space<vmem_shared>>
        %dma_wait3A_44 = arith.constant 0 : i32
        %dma_wait3A_45 = tpu.memref_slice %arg3[%mul3A_0, %dma_wait3A_44] : memref<10000x128xf32, #tpu.memory_space<hbm>> -> memref<624x128xf32, #tpu.memory_space<hbm>>
        tpu.wait_dma2 semaphore(%run_scoped3A : memref<!tpu.dma_semaphore, #tpu.memory_space<semaphore_mem>>) src(%dma_wait3A_45 : memref<624x128xf32, #tpu.memory_space<hbm>>) dst(%dma_wait3A_43 : memref<624x128xf32, #tpu.memory_space<vmem_shared>>)
        tpu.yield
      }) : () -> ()
      %eq3A_33 = arith.constant 15 : i32
      %eq3A_34 = arith.cmpi eq, %arg1, %eq3A_33 : i32
      %convert_element_type3A_35 = arith.extui %eq3A_34 : i1 to i32
      %cond3A_36 = arith.constant 0 : i32
      %cond3A_37 = arith.cmpi ne, %convert_element_type3A_35, %cond3A_36 : i32
      scf.if %cond3A_37 {
        "tpu.region"() ({
          %run_scoped3A = tpu.sem_alloc : memref<!tpu.dma_semaphore, #tpu.memory_space<semaphore_mem>>
          %dma_start3A_38 = arith.constant 9984 : i32
          %dma_start3A_39 = arith.constant 0 : i32
          %dma_start3A_40 = tpu.memref_slice %arg7[%dma_start3A_38, %dma_start3A_39] : memref<10000x128xf32, #tpu.memory_space<vmem_shared>> -> memref<16x128xf32, #tpu.memory_space<vmem_shared>>
          %dma_start3A_41 = arith.constant 9984 : i32
          %dma_start3A_42 = arith.constant 0 : i32
          %dma_start3A_43 = tpu.memref_slice %arg3[%dma_start3A_41, %dma_start3A_42] : memref<10000x128xf32, #tpu.memory_space<hbm>> -> memref<16x128xf32, #tpu.memory_space<hbm>>
          tpu.enqueue_dma source(%dma_start3A_43 : memref<16x128xf32, #tpu.memory_space<hbm>>) target(%dma_start3A_40 : memref<16x128xf32, #tpu.memory_space<vmem_shared>>) target_semaphore(%run_scoped3A : memref<!tpu.dma_semaphore, #tpu.memory_space<semaphore_mem>>)
          %dma_wait3A_44 = arith.constant 9984 : i32
          %dma_wait3A_45 = arith.constant 0 : i32
          %dma_wait3A_46 = tpu.memref_slice %arg7[%dma_wait3A_44, %dma_wait3A_45] : memref<10000x128xf32, #tpu.memory_space<vmem_shared>> -> memref<16x128xf32, #tpu.memory_space<vmem_shared>>
          %dma_wait3A_47 = arith.constant 9984 : i32
          %dma_wait3A_48 = arith.constant 0 : i32
          %dma_wait3A_49 = tpu.memref_slice %arg3[%dma_wait3A_47, %dma_wait3A_48] : memref<10000x128xf32, #tpu.memory_space<hbm>> -> memref<16x128xf32, #tpu.memory_space<hbm>>
          tpu.wait_dma2 semaphore(%run_scoped3A : memref<!tpu.dma_semaphore, #tpu.memory_space<semaphore_mem>>) src(%dma_wait3A_49 : memref<16x128xf32, #tpu.memory_space<hbm>>) dst(%dma_wait3A_46 : memref<16x128xf32, #tpu.memory_space<vmem_shared>>)
          tpu.yield
        }) : () -> ()
      } else {
      }
    } else {
    }
    %barrier3A = arith.constant 0 : index
    tpu.barrier barrier_id(%barrier3A)
    %mul3A_8 = arith.constant 160000 : i32
    %mul3A_9 = arith.muli %arg0, %mul3A_8 : i32
    %mul3A_10 = arith.constant 10000 : i32
    %mul3A_11 = arith.muli %arg1, %mul3A_10 : i32
    %add3A = arith.addi %mul3A_9, %mul3A_11 : i32
    %scan3A = arith.constant 0 : i32
    %scan3A_12 = arith.constant 0 : i32
    %scan3A_13 = arith.constant 78 : i32
    %scan3A_14 = arith.addi %scan3A_12, %scan3A_13 : i32
    %scan3A_15 = arith.constant 1 : i32
    %scan3A_16 = scf.for %scan3A_33 = %scan3A_12 to %scan3A_14 step %scan3A_15 iter_args(%scan3A_34 = %scan3A) -> (i32)  : i32 {
      %mul3A_35 = arith.constant 128 : i32
      %mul3A_36 = arith.muli %scan3A_33, %mul3A_35 : i32
      %add3A_37 = arith.addi %add3A, %mul3A_36 : i32
      "tpu.region"() ({
        %run_scoped3A = tpu.sem_alloc : memref<!tpu.dma_semaphore, #tpu.memory_space<semaphore_mem>>
        %dma_start3A_45 = tpu.memref_slice %arg4[%add3A_37] : memref<320000xi32, #tpu.memory_space<hbm>> -> memref<128xi32, #tpu.memory_space<hbm>>
        %dma_start3A_46 = tpu.memref_slice %arg4[%add3A_37] : memref<320000xi32, #tpu.memory_space<hbm>> -> memref<128xi32, #tpu.memory_space<hbm>>
        tpu.enqueue_dma source(%dma_start3A_46 : memref<128xi32, #tpu.memory_space<hbm>>) target(%arg8 : memref<128xi32, #tpu.memory_space<vmem>>) target_semaphore(%run_scoped3A : memref<!tpu.dma_semaphore, #tpu.memory_space<semaphore_mem>>)
        %dma_wait3A_47 = tpu.memref_slice %arg4[%add3A_37] : memref<320000xi32, #tpu.memory_space<hbm>> -> memref<128xi32, #tpu.memory_space<hbm>>
        %dma_wait3A_48 = tpu.memref_slice %arg4[%add3A_37] : memref<320000xi32, #tpu.memory_space<hbm>> -> memref<128xi32, #tpu.memory_space<hbm>>
        tpu.wait_dma2 semaphore(%run_scoped3A : memref<!tpu.dma_semaphore, #tpu.memory_space<semaphore_mem>>) src(%dma_wait3A_48 : memref<128xi32, #tpu.memory_space<hbm>>) dst(%arg8 : memref<128xi32, #tpu.memory_space<vmem>>)
        tpu.yield
      }) : () -> ()
      "tpu.region"() ({
        %run_scoped3A = tpu.sem_alloc : memref<!tpu.dma_semaphore, #tpu.memory_space<semaphore_mem>>
        %dma_start3A_45 = tpu.memref_slice %arg5[%add3A_37] : memref<320000xi32, #tpu.memory_space<hbm>> -> memref<128xi32, #tpu.memory_space<hbm>>
        %dma_start3A_46 = tpu.memref_slice %arg5[%add3A_37] : memref<320000xi32, #tpu.memory_space<hbm>> -> memref<128xi32, #tpu.memory_space<hbm>>
        tpu.enqueue_dma source(%dma_start3A_46 : memref<128xi32, #tpu.memory_space<hbm>>) target(%arg9 : memref<128xi32, #tpu.memory_space<vmem>>) target_semaphore(%run_scoped3A : memref<!tpu.dma_semaphore, #tpu.memory_space<semaphore_mem>>)
        %dma_wait3A_47 = tpu.memref_slice %arg5[%add3A_37] : memref<320000xi32, #tpu.memory_space<hbm>> -> memref<128xi32, #tpu.memory_space<hbm>>
        %dma_wait3A_48 = tpu.memref_slice %arg5[%add3A_37] : memref<320000xi32, #tpu.memory_space<hbm>> -> memref<128xi32, #tpu.memory_space<hbm>>
        tpu.wait_dma2 semaphore(%run_scoped3A : memref<!tpu.dma_semaphore, #tpu.memory_space<semaphore_mem>>) src(%dma_wait3A_48 : memref<128xi32, #tpu.memory_space<hbm>>) dst(%arg9 : memref<128xi32, #tpu.memory_space<vmem>>)
        tpu.yield
      }) : () -> ()
      %dma_start3A_38 = arith.constant 0 : i32
      %dma_start3A_39 = arith.constant 0 : i32
      %dma_start3A_40 = tpu.memref_slice %arg2[%dma_start3A_38, %dma_start3A_39] : memref<10000x128xf32, #tpu.memory_space<hbm>> -> memref<10000x128xf32, #tpu.memory_space<hbm>>
      tpu.enqueue_indirect_dma source(%dma_start3A_40 : memref<10000x128xf32, #tpu.memory_space<hbm>>) target(%arg10 : memref<128x128xf32, #tpu.memory_space<vmem>>) offsets(%arg8 : memref<128xi32, #tpu.memory_space<vmem>>) semaphore(%arg14 : memref<!tpu.dma_semaphore, #tpu.memory_space<semaphore_mem>>)
      %dma_wait3A_41 = arith.constant 0 : i32
      %dma_wait3A_42 = arith.constant 0 : i32
      %dma_wait3A_43 = tpu.memref_slice %arg2[%dma_wait3A_41, %dma_wait3A_42] : memref<10000x128xf32, #tpu.memory_space<hbm>> -> memref<10000x128xf32, #tpu.memory_space<hbm>>
      tpu.wait_indirect_dma semaphore(%arg14 : memref<!tpu.dma_semaphore, #tpu.memory_space<semaphore_mem>>) src(%dma_wait3A_43 : memref<10000x128xf32, #tpu.memory_space<hbm>>) dst(%arg10 : memref<128x128xf32, #tpu.memory_space<vmem>>)
      "tpu.region"() ({
        %run_scoped3A = tpu.sem_alloc : memref<!tpu.dma_semaphore, #tpu.memory_space<semaphore_mem>>
        %dma_start3A_45 = arith.constant 0 : i32
        %dma_start3A_46 = arith.constant 0 : i32
        %dma_start3A_47 = tpu.memref_slice %arg7[%dma_start3A_45, %dma_start3A_46] : memref<10000x128xf32, #tpu.memory_space<vmem_shared>> -> memref<10000x128xf32, #tpu.memory_space<vmem_shared>>
        tpu.enqueue_indirect_dma source(%arg10 : memref<128x128xf32, #tpu.memory_space<vmem>>) target(%dma_start3A_47 : memref<10000x128xf32, #tpu.memory_space<vmem_shared>>) offsets(%arg9 : memref<128xi32, #tpu.memory_space<vmem>>) semaphore(%run_scoped3A : memref<!tpu.dma_semaphore, #tpu.memory_space<semaphore_mem>>) {add = true}
        %dma_wait3A_48 = arith.constant 0 : i32
        %dma_wait3A_49 = arith.constant 0 : i32
        %dma_wait3A_50 = tpu.memref_slice %arg7[%dma_wait3A_48, %dma_wait3A_49] : memref<10000x128xf32, #tpu.memory_space<vmem_shared>> -> memref<10000x128xf32, #tpu.memory_space<vmem_shared>>
        tpu.wait_indirect_dma semaphore(%run_scoped3A : memref<!tpu.dma_semaphore, #tpu.memory_space<semaphore_mem>>) src(%arg10 : memref<128x128xf32, #tpu.memory_space<vmem>>) dst(%dma_wait3A_50 : memref<10000x128xf32, #tpu.memory_space<vmem_shared>>)
        tpu.yield
      }) : () -> ()
      %scan3A_44 = arith.constant 0 : i32
      scf.yield %scan3A_44 : i32
    }
    %scan3A_17 = arith.constant 78 : i32
    %add3A_18 = arith.constant 9984 : i32
    %add3A_19 = arith.addi %add3A, %add3A_18 : i32
    "tpu.region"() ({
      %run_scoped3A = tpu.sem_alloc : memref<!tpu.dma_semaphore, #tpu.memory_space<semaphore_mem>>
      %dma_start3A_33 = tpu.memref_slice %arg4[%add3A_19] : memref<320000xi32, #tpu.memory_space<hbm>> -> memref<16xi32, #tpu.memory_space<hbm>>
      %dma_start3A_34 = tpu.memref_slice %arg4[%add3A_19] : memref<320000xi32, #tpu.memory_space<hbm>> -> memref<16xi32, #tpu.memory_space<hbm>>
      tpu.enqueue_dma source(%dma_start3A_34 : memref<16xi32, #tpu.memory_space<hbm>>) target(%arg11 : memref<16xi32, #tpu.memory_space<vmem>>) target_semaphore(%run_scoped3A : memref<!tpu.dma_semaphore, #tpu.memory_space<semaphore_mem>>)
      %dma_wait3A_35 = tpu.memref_slice %arg4[%add3A_19] : memref<320000xi32, #tpu.memory_space<hbm>> -> memref<16xi32, #tpu.memory_space<hbm>>
      %dma_wait3A_36 = tpu.memref_slice %arg4[%add3A_19] : memref<320000xi32, #tpu.memory_space<hbm>> -> memref<16xi32, #tpu.memory_space<hbm>>
      tpu.wait_dma2 semaphore(%run_scoped3A : memref<!tpu.dma_semaphore, #tpu.memory_space<semaphore_mem>>) src(%dma_wait3A_36 : memref<16xi32, #tpu.memory_space<hbm>>) dst(%arg11 : memref<16xi32, #tpu.memory_space<vmem>>)
      tpu.yield
    }) : () -> ()
    "tpu.region"() ({
      %run_scoped3A = tpu.sem_alloc : memref<!tpu.dma_semaphore, #tpu.memory_space<semaphore_mem>>
      %dma_start3A_33 = tpu.memref_slice %arg5[%add3A_19] : memref<320000xi32, #tpu.memory_space<hbm>> -> memref<16xi32, #tpu.memory_space<hbm>>
      %dma_start3A_34 = tpu.memref_slice %arg5[%add3A_19] : memref<320000xi32, #tpu.memory_space<hbm>> -> memref<16xi32, #tpu.memory_space<hbm>>
      tpu.enqueue_dma source(%dma_start3A_34 : memref<16xi32, #tpu.memory_space<hbm>>) target(%arg12 : memref<16xi32, #tpu.memory_space<vmem>>) target_semaphore(%run_scoped3A : memref<!tpu.dma_semaphore, #tpu.memory_space<semaphore_mem>>)
      %dma_wait3A_35 = tpu.memref_slice %arg5[%add3A_19] : memref<320000xi32, #tpu.memory_space<hbm>> -> memref<16xi32, #tpu.memory_space<hbm>>
      %dma_wait3A_36 = tpu.memref_slice %arg5[%add3A_19] : memref<320000xi32, #tpu.memory_space<hbm>> -> memref<16xi32, #tpu.memory_space<hbm>>
      tpu.wait_dma2 semaphore(%run_scoped3A : memref<!tpu.dma_semaphore, #tpu.memory_space<semaphore_mem>>) src(%dma_wait3A_36 : memref<16xi32, #tpu.memory_space<hbm>>) dst(%arg12 : memref<16xi32, #tpu.memory_space<vmem>>)
      tpu.yield
    }) : () -> ()
    %dma_start3A = arith.constant 0 : i32
    %dma_start3A_20 = arith.constant 0 : i32
    %dma_start3A_21 = tpu.memref_slice %arg2[%dma_start3A, %dma_start3A_20] : memref<10000x128xf32, #tpu.memory_space<hbm>> -> memref<10000x128xf32, #tpu.memory_space<hbm>>
    tpu.enqueue_indirect_dma source(%dma_start3A_21 : memref<10000x128xf32, #tpu.memory_space<hbm>>) target(%arg13 : memref<16x128xf32, #tpu.memory_space<vmem>>) offsets(%arg11 : memref<16xi32, #tpu.memory_space<vmem>>) semaphore(%arg14 : memref<!tpu.dma_semaphore, #tpu.memory_space<semaphore_mem>>)
    %dma_wait3A = arith.constant 0 : i32
    %dma_wait3A_22 = arith.constant 0 : i32
    %dma_wait3A_23 = tpu.memref_slice %arg2[%dma_wait3A, %dma_wait3A_22] : memref<10000x128xf32, #tpu.memory_space<hbm>> -> memref<10000x128xf32, #tpu.memory_space<hbm>>
    tpu.wait_indirect_dma semaphore(%arg14 : memref<!tpu.dma_semaphore, #tpu.memory_space<semaphore_mem>>) src(%dma_wait3A_23 : memref<10000x128xf32, #tpu.memory_space<hbm>>) dst(%arg13 : memref<16x128xf32, #tpu.memory_space<vmem>>)
    "tpu.region"() ({
      %run_scoped3A = tpu.sem_alloc : memref<!tpu.dma_semaphore, #tpu.memory_space<semaphore_mem>>
      %dma_start3A_33 = arith.constant 0 : i32
      %dma_start3A_34 = arith.constant 0 : i32
      %dma_start3A_35 = tpu.memref_slice %arg7[%dma_start3A_33, %dma_start3A_34] : memref<10000x128xf32, #tpu.memory_space<vmem_shared>> -> memref<10000x128xf32, #tpu.memory_space<vmem_shared>>
      tpu.enqueue_indirect_dma source(%arg13 : memref<16x128xf32, #tpu.memory_space<vmem>>) target(%dma_start3A_35 : memref<10000x128xf32, #tpu.memory_space<vmem_shared>>) offsets(%arg12 : memref<16xi32, #tpu.memory_space<vmem>>) semaphore(%run_scoped3A : memref<!tpu.dma_semaphore, #tpu.memory_space<semaphore_mem>>) {add = true}
      %dma_wait3A_36 = arith.constant 0 : i32
      %dma_wait3A_37 = arith.constant 0 : i32
      %dma_wait3A_38 = tpu.memref_slice %arg7[%dma_wait3A_36, %dma_wait3A_37] : memref<10000x128xf32, #tpu.memory_space<vmem_shared>> -> memref<10000x128xf32, #tpu.memory_space<vmem_shared>>
      tpu.wait_indirect_dma semaphore(%run_scoped3A : memref<!tpu.dma_semaphore, #tpu.memory_space<semaphore_mem>>) src(%arg13 : memref<16x128xf32, #tpu.memory_space<vmem>>) dst(%dma_wait3A_38 : memref<10000x128xf32, #tpu.memory_space<vmem_shared>>)
      tpu.yield
    }) : () -> ()
    %barrier3A_24 = arith.constant 0 : index
    tpu.barrier barrier_id(%barrier3A_24)
    %mul3A_25 = arith.constant 10000 : i32
    %mul3A_26 = arith.muli %arg0, %mul3A_25 : i32
    %add3A_27 = arith.addi %mul3A_26, %mul3A_0 : i32
    "tpu.region"() ({
      %run_scoped3A = tpu.sem_alloc : memref<!tpu.dma_semaphore, #tpu.memory_space<semaphore_mem>>
      %dma_start3A_33 = arith.constant 0 : i32
      %dma_start3A_34 = tpu.memref_slice %arg6[%add3A_27, %dma_start3A_33] : memref<20000x128xf32, #tpu.memory_space<hbm>> -> memref<624x128xf32, #tpu.memory_space<hbm>>
      %dma_start3A_35 = arith.constant 0 : i32
      %dma_start3A_36 = tpu.memref_slice %arg7[%mul3A_0, %dma_start3A_35] : memref<10000x128xf32, #tpu.memory_space<vmem_shared>> -> memref<624x128xf32, #tpu.memory_space<vmem_shared>>
      tpu.enqueue_dma source(%dma_start3A_36 : memref<624x128xf32, #tpu.memory_space<vmem_shared>>) target(%dma_start3A_34 : memref<624x128xf32, #tpu.memory_space<hbm>>) target_semaphore(%run_scoped3A : memref<!tpu.dma_semaphore, #tpu.memory_space<semaphore_mem>>)
      %dma_wait3A_37 = arith.constant 0 : i32
      %dma_wait3A_38 = tpu.memref_slice %arg6[%add3A_27, %dma_wait3A_37] : memref<20000x128xf32, #tpu.memory_space<hbm>> -> memref<624x128xf32, #tpu.memory_space<hbm>>
      %dma_wait3A_39 = arith.constant 0 : i32
      %dma_wait3A_40 = tpu.memref_slice %arg7[%mul3A_0, %dma_wait3A_39] : memref<10000x128xf32, #tpu.memory_space<vmem_shared>> -> memref<624x128xf32, #tpu.memory_space<vmem_shared>>
      tpu.wait_dma2 semaphore(%run_scoped3A : memref<!tpu.dma_semaphore, #tpu.memory_space<semaphore_mem>>) src(%dma_wait3A_40 : memref<624x128xf32, #tpu.memory_space<vmem_shared>>) dst(%dma_wait3A_38 : memref<624x128xf32, #tpu.memory_space<hbm>>)
      tpu.yield
    }) : () -> ()
    %eq3A_28 = arith.constant 15 : i32
    %eq3A_29 = arith.cmpi eq, %arg1, %eq3A_28 : i32
    %convert_element_type3A_30 = arith.extui %eq3A_29 : i1 to i32
    %cond3A_31 = arith.constant 0 : i32
    %cond3A_32 = arith.cmpi ne, %convert_element_type3A_30, %cond3A_31 : i32
    scf.if %cond3A_32 {
      %mul3A_33 = arith.constant 10000 : i32
      %mul3A_34 = arith.muli %arg0, %mul3A_33 : i32
      %add3A_35 = arith.constant 9984 : i32
      %add3A_36 = arith.addi %mul3A_34, %add3A_35 : i32
      "tpu.region"() ({
        %run_scoped3A = tpu.sem_alloc : memref<!tpu.dma_semaphore, #tpu.memory_space<semaphore_mem>>
        %dma_start3A_37 = arith.constant 0 : i32
        %dma_start3A_38 = tpu.memref_slice %arg6[%add3A_36, %dma_start3A_37] : memref<20000x128xf32, #tpu.memory_space<hbm>> -> memref<16x128xf32, #tpu.memory_space<hbm>>
        %dma_start3A_39 = arith.constant 9984 : i32
        %dma_start3A_40 = arith.constant 0 : i32
        %dma_start3A_41 = tpu.memref_slice %arg7[%dma_start3A_39, %dma_start3A_40] : memref<10000x128xf32, #tpu.memory_space<vmem_shared>> -> memref<16x128xf32, #tpu.memory_space<vmem_shared>>
        tpu.enqueue_dma source(%dma_start3A_41 : memref<16x128xf32, #tpu.memory_space<vmem_shared>>) target(%dma_start3A_38 : memref<16x128xf32, #tpu.memory_space<hbm>>) target_semaphore(%run_scoped3A : memref<!tpu.dma_semaphore, #tpu.memory_space<semaphore_mem>>)
        %dma_wait3A_42 = arith.constant 0 : i32
        %dma_wait3A_43 = tpu.memref_slice %arg6[%add3A_36, %dma_wait3A_42] : memref<20000x128xf32, #tpu.memory_space<hbm>> -> memref<16x128xf32, #tpu.memory_space<hbm>>
        %dma_wait3A_44 = arith.constant 9984 : i32
        %dma_wait3A_45 = arith.constant 0 : i32
        %dma_wait3A_46 = tpu.memref_slice %arg7[%dma_wait3A_44, %dma_wait3A_45] : memref<10000x128xf32, #tpu.memory_space<vmem_shared>> -> memref<16x128xf32, #tpu.memory_space<vmem_shared>>
        tpu.wait_dma2 semaphore(%run_scoped3A : memref<!tpu.dma_semaphore, #tpu.memory_space<semaphore_mem>>) src(%dma_wait3A_46 : memref<16x128xf32, #tpu.memory_space<vmem_shared>>) dst(%dma_wait3A_43 : memref<16x128xf32, #tpu.memory_space<hbm>>)
        tpu.yield
      }) : () -> ()
    } else {
    }
    return
  }
}

#map = affine_map<(d0, d1) -> (0)>
#map1 = affine_map<(d0, d1) -> (0, 0)>
module attributes {stable_mosaic.version = 14 : i64} {
  func.func @_deg_sc(%arg0: i32, %arg1: i32, %arg2: memref<320000xi32, #tpu.memory_space<hbm>>, %arg3: memref<20000x16xf32, #tpu.memory_space<hbm>>, %arg4: memref<10000x16xf32, #tpu.memory_space<vmem_shared>>, %arg5: memref<128xi32, #tpu.memory_space<vmem>>, %arg6: memref<16xi32, #tpu.memory_space<vmem>>, %arg7: memref<128x16xf32, #tpu.memory_space<vmem>>, %arg8: memref<624x16xf32, #tpu.memory_space<vmem>>) attributes {dimension_semantics = [#tpu.dimension_semantics<core_parallel>, #tpu.dimension_semantics<subcore_parallel>], iteration_bounds = array<i64: 2, 16>, scalar_prefetch = 0 : i64, scratch_operands = 5 : i64, tpu.core_type = #tpu.core_type<sc_vector_subcore>, window_params = [{transform_indices = #map}, {transform_indices = #map1}]} {
    %iota3A = tpu.iota {dimensions = array<i32: 0>} : vector<16xi32>
    %eq3A = arith.constant 0 : i32
    %eq3A_0 = vector.broadcast %eq3A : i32 to vector<16xi32>
    %eq3A_1 = arith.cmpi eq, %iota3A, %eq3A_0 : vector<16xi32>
    %jit3A = arith.constant 1.000000e+00 : f32
    %jit3A_2 = arith.constant 0.000000e+00 : f32
    %broadcast_in_dim3A = vector.broadcast %jit3A : f32 to vector<16xf32>
    %broadcast_in_dim3A_3 = vector.broadcast %jit3A_2 : f32 to vector<16xf32>
    %select_n3A = arith.select %eq3A_1, %broadcast_in_dim3A, %broadcast_in_dim3A_3 : vector<16xi1>, vector<16xf32>
    %broadcast_in_dim3A_4 = arith.constant 0.000000e+00 : f32
    %broadcast_in_dim3A_5 = vector.broadcast %broadcast_in_dim3A_4 : f32 to vector<16xf32>
    %scan3A = arith.constant 0 : i32
    %scan3A_6 = arith.constant 0 : i32
    %scan3A_7 = arith.constant 128 : i32
    %scan3A_8 = arith.addi %scan3A_6, %scan3A_7 : i32
    %scan3A_9 = arith.constant 1 : i32
    %scan3A_10 = scf.for %scan3A_49 = %scan3A_6 to %scan3A_8 step %scan3A_9 iter_args(%scan3A_50 = %scan3A) -> (i32)  : i32 {
      %swap3A = arith.index_cast %scan3A_49 : i32 to index
      %swap3A_51 = arith.constant 0 : index
      %swap3A_52 = tpu.vector_load %arg7[%swap3A, %swap3A_51] {strides = array<i32>} : memref<128x16xf32, #tpu.memory_space<vmem>>, vector<1x16xf32>,
      %swap3A_53 = vector.shape_cast %swap3A_52 : vector<1x16xf32> to vector<16xf32>
      %swap3A_54 = vector.shape_cast %select_n3A : vector<16xf32> to vector<1x16xf32>
      tpu.vector_store %arg7[%swap3A, %swap3A_51], %swap3A_54 {strides = array<i32>} : memref<128x16xf32, #tpu.memory_space<vmem>>, vector<1x16xf32>,
      %scan3A_55 = arith.constant 0 : i32
      scf.yield %scan3A_55 : i32
    }
    %scan3A_11 = arith.constant 128 : i32
    %scan3A_12 = arith.constant 0 : i32
    %scan3A_13 = arith.constant 0 : i32
    %scan3A_14 = arith.constant 624 : i32
    %scan3A_15 = arith.addi %scan3A_13, %scan3A_14 : i32
    %scan3A_16 = arith.constant 1 : i32
    %scan3A_17 = scf.for %scan3A_49 = %scan3A_13 to %scan3A_15 step %scan3A_16 iter_args(%scan3A_50 = %scan3A_12) -> (i32)  : i32 {
      %swap3A = arith.index_cast %scan3A_49 : i32 to index
      %swap3A_51 = arith.constant 0 : index
      %swap3A_52 = tpu.vector_load %arg8[%swap3A, %swap3A_51] {strides = array<i32>} : memref<624x16xf32, #tpu.memory_space<vmem>>, vector<1x16xf32>,
      %swap3A_53 = vector.shape_cast %swap3A_52 : vector<1x16xf32> to vector<16xf32>
      %swap3A_54 = vector.shape_cast %broadcast_in_dim3A_5 : vector<16xf32> to vector<1x16xf32>
      tpu.vector_store %arg8[%swap3A, %swap3A_51], %swap3A_54 {strides = array<i32>} : memref<624x16xf32, #tpu.memory_space<vmem>>, vector<1x16xf32>,
      %scan3A_55 = arith.constant 0 : i32
      scf.yield %scan3A_55 : i32
    }
    %scan3A_18 = arith.constant 624 : i32
    %mul3A = arith.constant 624 : i32
    %mul3A_19 = arith.muli %arg1, %mul3A : i32
    "tpu.region"() ({
      %run_scoped3A = tpu.sem_alloc : memref<!tpu.dma_semaphore, #tpu.memory_space<semaphore_mem>>
      %dma_start3A = arith.constant 0 : i32
      %dma_start3A_49 = tpu.memref_slice %arg4[%mul3A_19, %dma_start3A] : memref<10000x16xf32, #tpu.memory_space<vmem_shared>> -> memref<624x16xf32, #tpu.memory_space<vmem_shared>>
      %dma_start3A_50 = arith.constant 0 : i32
      %dma_start3A_51 = tpu.memref_slice %arg4[%mul3A_19, %dma_start3A_50] : memref<10000x16xf32, #tpu.memory_space<vmem_shared>> -> memref<624x16xf32, #tpu.memory_space<vmem_shared>>
      tpu.enqueue_dma source(%arg8 : memref<624x16xf32, #tpu.memory_space<vmem>>) target(%dma_start3A_51 : memref<624x16xf32, #tpu.memory_space<vmem_shared>>) target_semaphore(%run_scoped3A : memref<!tpu.dma_semaphore, #tpu.memory_space<semaphore_mem>>)
      %dma_wait3A = arith.constant 0 : i32
      %dma_wait3A_52 = tpu.memref_slice %arg4[%mul3A_19, %dma_wait3A] : memref<10000x16xf32, #tpu.memory_space<vmem_shared>> -> memref<624x16xf32, #tpu.memory_space<vmem_shared>>
      %dma_wait3A_53 = arith.constant 0 : i32
      %dma_wait3A_54 = tpu.memref_slice %arg4[%mul3A_19, %dma_wait3A_53] : memref<10000x16xf32, #tpu.memory_space<vmem_shared>> -> memref<624x16xf32, #tpu.memory_space<vmem_shared>>
      tpu.wait_dma2 semaphore(%run_scoped3A : memref<!tpu.dma_semaphore, #tpu.memory_space<semaphore_mem>>) src(%arg8 : memref<624x16xf32, #tpu.memory_space<vmem>>) dst(%dma_wait3A_54 : memref<624x16xf32, #tpu.memory_space<vmem_shared>>)
      tpu.yield
    }) : () -> ()
    %eq3A_20 = arith.constant 15 : i32
    %eq3A_21 = arith.cmpi eq, %arg1, %eq3A_20 : i32
    %convert_element_type3A = arith.extui %eq3A_21 : i1 to i32
    %cond3A = arith.constant 0 : i32
    %cond3A_22 = arith.cmpi ne, %convert_element_type3A, %cond3A : i32
    scf.if %cond3A_22 {
      "tpu.region"() ({
        %run_scoped3A = tpu.sem_alloc : memref<!tpu.dma_semaphore, #tpu.memory_space<semaphore_mem>>
        %dma_start3A = arith.constant 0 : i32
        %dma_start3A_49 = arith.constant 0 : i32
        %dma_start3A_50 = tpu.memref_slice %arg8[%dma_start3A, %dma_start3A_49] : memref<624x16xf32, #tpu.memory_space<vmem>> -> memref<16x16xf32, #tpu.memory_space<vmem>>
        %dma_start3A_51 = arith.constant 9984 : i32
        %dma_start3A_52 = arith.constant 0 : i32
        %dma_start3A_53 = tpu.memref_slice %arg4[%dma_start3A_51, %dma_start3A_52] : memref<10000x16xf32, #tpu.memory_space<vmem_shared>> -> memref<16x16xf32, #tpu.memory_space<vmem_shared>>
        %dma_start3A_54 = arith.constant 9984 : i32
        %dma_start3A_55 = arith.constant 0 : i32
        %dma_start3A_56 = tpu.memref_slice %arg4[%dma_start3A_54, %dma_start3A_55] : memref<10000x16xf32, #tpu.memory_space<vmem_shared>> -> memref<16x16xf32, #tpu.memory_space<vmem_shared>>
        %dma_start3A_57 = arith.constant 0 : i32
        %dma_start3A_58 = arith.constant 0 : i32
        %dma_start3A_59 = tpu.memref_slice %arg8[%dma_start3A_57, %dma_start3A_58] : memref<624x16xf32, #tpu.memory_space<vmem>> -> memref<16x16xf32, #tpu.memory_space<vmem>>
        tpu.enqueue_dma source(%dma_start3A_59 : memref<16x16xf32, #tpu.memory_space<vmem>>) target(%dma_start3A_56 : memref<16x16xf32, #tpu.memory_space<vmem_shared>>) target_semaphore(%run_scoped3A : memref<!tpu.dma_semaphore, #tpu.memory_space<semaphore_mem>>)
        %dma_wait3A = arith.constant 0 : i32
        %dma_wait3A_60 = arith.constant 0 : i32
        %dma_wait3A_61 = tpu.memref_slice %arg8[%dma_wait3A, %dma_wait3A_60] : memref<624x16xf32, #tpu.memory_space<vmem>> -> memref<16x16xf32, #tpu.memory_space<vmem>>
        %dma_wait3A_62 = arith.constant 9984 : i32
        %dma_wait3A_63 = arith.constant 0 : i32
        %dma_wait3A_64 = tpu.memref_slice %arg4[%dma_wait3A_62, %dma_wait3A_63] : memref<10000x16xf32, #tpu.memory_space<vmem_shared>> -> memref<16x16xf32, #tpu.memory_space<vmem_shared>>
        %dma_wait3A_65 = arith.constant 9984 : i32
        %dma_wait3A_66 = arith.constant 0 : i32
        %dma_wait3A_67 = tpu.memref_slice %arg4[%dma_wait3A_65, %dma_wait3A_66] : memref<10000x16xf32, #tpu.memory_space<vmem_shared>> -> memref<16x16xf32, #tpu.memory_space<vmem_shared>>
        %dma_wait3A_68 = arith.constant 0 : i32
        %dma_wait3A_69 = arith.constant 0 : i32
        %dma_wait3A_70 = tpu.memref_slice %arg8[%dma_wait3A_68, %dma_wait3A_69] : memref<624x16xf32, #tpu.memory_space<vmem>> -> memref<16x16xf32, #tpu.memory_space<vmem>>
        tpu.wait_dma2 semaphore(%run_scoped3A : memref<!tpu.dma_semaphore, #tpu.memory_space<semaphore_mem>>) src(%dma_wait3A_70 : memref<16x16xf32, #tpu.memory_space<vmem>>) dst(%dma_wait3A_67 : memref<16x16xf32, #tpu.memory_space<vmem_shared>>)
        tpu.yield
      }) : () -> ()
    } else {
    }
    %barrier3A = arith.constant 0 : index
    tpu.barrier barrier_id(%barrier3A)
    %mul3A_23 = arith.constant 160000 : i32
    %mul3A_24 = arith.muli %arg0, %mul3A_23 : i32
    %mul3A_25 = arith.constant 10000 : i32
    %mul3A_26 = arith.muli %arg1, %mul3A_25 : i32
    %add3A = arith.addi %mul3A_24, %mul3A_26 : i32
    %scan3A_27 = arith.constant 0 : i32
    %scan3A_28 = arith.constant 0 : i32
    %scan3A_29 = arith.constant 78 : i32
    %scan3A_30 = arith.addi %scan3A_28, %scan3A_29 : i32
    %scan3A_31 = arith.constant 1 : i32
    %scan3A_32 = scf.for %scan3A_49 = %scan3A_28 to %scan3A_30 step %scan3A_31 iter_args(%scan3A_50 = %scan3A_27) -> (i32)  : i32 {
      %mul3A_51 = arith.constant 128 : i32
      %mul3A_52 = arith.muli %scan3A_49, %mul3A_51 : i32
      %add3A_53 = arith.addi %add3A, %mul3A_52 : i32
      "tpu.region"() ({
        %run_scoped3A = tpu.sem_alloc : memref<!tpu.dma_semaphore, #tpu.memory_space<semaphore_mem>>
        %dma_start3A = tpu.memref_slice %arg2[%add3A_53] : memref<320000xi32, #tpu.memory_space<hbm>> -> memref<128xi32, #tpu.memory_space<hbm>>
        %dma_start3A_55 = tpu.memref_slice %arg2[%add3A_53] : memref<320000xi32, #tpu.memory_space<hbm>> -> memref<128xi32, #tpu.memory_space<hbm>>
        tpu.enqueue_dma source(%dma_start3A_55 : memref<128xi32, #tpu.memory_space<hbm>>) target(%arg5 : memref<128xi32, #tpu.memory_space<vmem>>) target_semaphore(%run_scoped3A : memref<!tpu.dma_semaphore, #tpu.memory_space<semaphore_mem>>)
        %dma_wait3A = tpu.memref_slice %arg2[%add3A_53] : memref<320000xi32, #tpu.memory_space<hbm>> -> memref<128xi32, #tpu.memory_space<hbm>>
        %dma_wait3A_56 = tpu.memref_slice %arg2[%add3A_53] : memref<320000xi32, #tpu.memory_space<hbm>> -> memref<128xi32, #tpu.memory_space<hbm>>
        tpu.wait_dma2 semaphore(%run_scoped3A : memref<!tpu.dma_semaphore, #tpu.memory_space<semaphore_mem>>) src(%dma_wait3A_56 : memref<128xi32, #tpu.memory_space<hbm>>) dst(%arg5 : memref<128xi32, #tpu.memory_space<vmem>>)
        tpu.yield
      }) : () -> ()
      "tpu.region"() ({
        %run_scoped3A = tpu.sem_alloc : memref<!tpu.dma_semaphore, #tpu.memory_space<semaphore_mem>>
        %dma_start3A = arith.constant 0 : i32
        %dma_start3A_55 = arith.constant 0 : i32
        %dma_start3A_56 = tpu.memref_slice %arg4[%dma_start3A, %dma_start3A_55] : memref<10000x16xf32, #tpu.memory_space<vmem_shared>> -> memref<10000x16xf32, #tpu.memory_space<vmem_shared>>
        tpu.enqueue_indirect_dma source(%arg7 : memref<128x16xf32, #tpu.memory_space<vmem>>) target(%dma_start3A_56 : memref<10000x16xf32, #tpu.memory_space<vmem_shared>>) offsets(%arg5 : memref<128xi32, #tpu.memory_space<vmem>>) semaphore(%run_scoped3A : memref<!tpu.dma_semaphore, #tpu.memory_space<semaphore_mem>>) {add = true}
        %dma_wait3A = arith.constant 0 : i32
        %dma_wait3A_57 = arith.constant 0 : i32
        %dma_wait3A_58 = tpu.memref_slice %arg4[%dma_wait3A, %dma_wait3A_57] : memref<10000x16xf32, #tpu.memory_space<vmem_shared>> -> memref<10000x16xf32, #tpu.memory_space<vmem_shared>>
        tpu.wait_indirect_dma semaphore(%run_scoped3A : memref<!tpu.dma_semaphore, #tpu.memory_space<semaphore_mem>>) src(%arg7 : memref<128x16xf32, #tpu.memory_space<vmem>>) dst(%dma_wait3A_58 : memref<10000x16xf32, #tpu.memory_space<vmem_shared>>)
        tpu.yield
      }) : () -> ()
      %scan3A_54 = arith.constant 0 : i32
      scf.yield %scan3A_54 : i32
    }
    %scan3A_33 = arith.constant 78 : i32
    %add3A_34 = arith.constant 9984 : i32
    %add3A_35 = arith.addi %add3A, %add3A_34 : i32
    "tpu.region"() ({
      %run_scoped3A = tpu.sem_alloc : memref<!tpu.dma_semaphore, #tpu.memory_space<semaphore_mem>>
      %dma_start3A = tpu.memref_slice %arg2[%add3A_35] : memref<320000xi32, #tpu.memory_space<hbm>> -> memref<16xi32, #tpu.memory_space<hbm>>
      %dma_start3A_49 = tpu.memref_slice %arg2[%add3A_35] : memref<320000xi32, #tpu.memory_space<hbm>> -> memref<16xi32, #tpu.memory_space<hbm>>
      tpu.enqueue_dma source(%dma_start3A_49 : memref<16xi32, #tpu.memory_space<hbm>>) target(%arg6 : memref<16xi32, #tpu.memory_space<vmem>>) target_semaphore(%run_scoped3A : memref<!tpu.dma_semaphore, #tpu.memory_space<semaphore_mem>>)
      %dma_wait3A = tpu.memref_slice %arg2[%add3A_35] : memref<320000xi32, #tpu.memory_space<hbm>> -> memref<16xi32, #tpu.memory_space<hbm>>
      %dma_wait3A_50 = tpu.memref_slice %arg2[%add3A_35] : memref<320000xi32, #tpu.memory_space<hbm>> -> memref<16xi32, #tpu.memory_space<hbm>>
      tpu.wait_dma2 semaphore(%run_scoped3A : memref<!tpu.dma_semaphore, #tpu.memory_space<semaphore_mem>>) src(%dma_wait3A_50 : memref<16xi32, #tpu.memory_space<hbm>>) dst(%arg6 : memref<16xi32, #tpu.memory_space<vmem>>)
      tpu.yield
    }) : () -> ()
    "tpu.region"() ({
      %run_scoped3A = tpu.sem_alloc : memref<!tpu.dma_semaphore, #tpu.memory_space<semaphore_mem>>
      %dma_start3A = arith.constant 0 : i32
      %dma_start3A_49 = arith.constant 0 : i32
      %dma_start3A_50 = tpu.memref_slice %arg7[%dma_start3A, %dma_start3A_49] : memref<128x16xf32, #tpu.memory_space<vmem>> -> memref<16x16xf32, #tpu.memory_space<vmem>>
      %dma_start3A_51 = arith.constant 0 : i32
      %dma_start3A_52 = arith.constant 0 : i32
      %dma_start3A_53 = tpu.memref_slice %arg4[%dma_start3A_51, %dma_start3A_52] : memref<10000x16xf32, #tpu.memory_space<vmem_shared>> -> memref<10000x16xf32, #tpu.memory_space<vmem_shared>>
      tpu.enqueue_indirect_dma source(%dma_start3A_50 : memref<16x16xf32, #tpu.memory_space<vmem>>) target(%dma_start3A_53 : memref<10000x16xf32, #tpu.memory_space<vmem_shared>>) offsets(%arg6 : memref<16xi32, #tpu.memory_space<vmem>>) semaphore(%run_scoped3A : memref<!tpu.dma_semaphore, #tpu.memory_space<semaphore_mem>>) {add = true}
      %dma_wait3A = arith.constant 0 : i32
      %dma_wait3A_54 = arith.constant 0 : i32
      %dma_wait3A_55 = tpu.memref_slice %arg7[%dma_wait3A, %dma_wait3A_54] : memref<128x16xf32, #tpu.memory_space<vmem>> -> memref<16x16xf32, #tpu.memory_space<vmem>>
      %dma_wait3A_56 = arith.constant 0 : i32
      %dma_wait3A_57 = arith.constant 0 : i32
      %dma_wait3A_58 = tpu.memref_slice %arg4[%dma_wait3A_56, %dma_wait3A_57] : memref<10000x16xf32, #tpu.memory_space<vmem_shared>> -> memref<10000x16xf32, #tpu.memory_space<vmem_shared>>
      tpu.wait_indirect_dma semaphore(%run_scoped3A : memref<!tpu.dma_semaphore, #tpu.memory_space<semaphore_mem>>) src(%dma_wait3A_55 : memref<16x16xf32, #tpu.memory_space<vmem>>) dst(%dma_wait3A_58 : memref<10000x16xf32, #tpu.memory_space<vmem_shared>>)
      tpu.yield
    }) : () -> ()
    %barrier3A_36 = arith.constant 0 : index
    tpu.barrier barrier_id(%barrier3A_36)
    %mul3A_37 = arith.constant 624 : i32
    %mul3A_38 = arith.muli %arg1, %mul3A_37 : i32
    %mul3A_39 = arith.constant 10000 : i32
    %mul3A_40 = arith.muli %arg0, %mul3A_39 : i32
    %mul3A_41 = arith.constant 624 : i32
    %mul3A_42 = arith.muli %arg1, %mul3A_41 : i32
    %add3A_43 = arith.addi %mul3A_40, %mul3A_42 : i32
    "tpu.region"() ({
      %run_scoped3A = tpu.sem_alloc : memref<!tpu.dma_semaphore, #tpu.memory_space<semaphore_mem>>
      %dma_start3A = arith.constant 0 : i32
      %dma_start3A_49 = tpu.memref_slice %arg3[%add3A_43, %dma_start3A] : memref<20000x16xf32, #tpu.memory_space<hbm>> -> memref<624x16xf32, #tpu.memory_space<hbm>>
      %dma_start3A_50 = arith.constant 0 : i32
      %dma_start3A_51 = tpu.memref_slice %arg4[%mul3A_38, %dma_start3A_50] : memref<10000x16xf32, #tpu.memory_space<vmem_shared>> -> memref<624x16xf32, #tpu.memory_space<vmem_shared>>
      tpu.enqueue_dma source(%dma_start3A_51 : memref<624x16xf32, #tpu.memory_space<vmem_shared>>) target(%dma_start3A_49 : memref<624x16xf32, #tpu.memory_space<hbm>>) target_semaphore(%run_scoped3A : memref<!tpu.dma_semaphore, #tpu.memory_space<semaphore_mem>>)
      %dma_wait3A = arith.constant 0 : i32
      %dma_wait3A_52 = tpu.memref_slice %arg3[%add3A_43, %dma_wait3A] : memref<20000x16xf32, #tpu.memory_space<hbm>> -> memref<624x16xf32, #tpu.memory_space<hbm>>
      %dma_wait3A_53 = arith.constant 0 : i32
      %dma_wait3A_54 = tpu.memref_slice %arg4[%mul3A_38, %dma_wait3A_53] : memref<10000x16xf32, #tpu.memory_space<vmem_shared>> -> memref<624x16xf32, #tpu.memory_space<vmem_shared>>
      tpu.wait_dma2 semaphore(%run_scoped3A : memref<!tpu.dma_semaphore, #tpu.memory_space<semaphore_mem>>) src(%dma_wait3A_54 : memref<624x16xf32, #tpu.memory_space<vmem_shared>>) dst(%dma_wait3A_52 : memref<624x16xf32, #tpu.memory_space<hbm>>)
      tpu.yield
    }) : () -> ()
    %eq3A_44 = arith.constant 15 : i32
    %eq3A_45 = arith.cmpi eq, %arg1, %eq3A_44 : i32
    %convert_element_type3A_46 = arith.extui %eq3A_45 : i1 to i32
    %cond3A_47 = arith.constant 0 : i32
    %cond3A_48 = arith.cmpi ne, %convert_element_type3A_46, %cond3A_47 : i32
    scf.if %cond3A_48 {
      %mul3A_49 = arith.constant 10000 : i32
      %mul3A_50 = arith.muli %arg0, %mul3A_49 : i32
      %add3A_51 = arith.constant 9984 : i32
      %add3A_52 = arith.addi %mul3A_50, %add3A_51 : i32
      "tpu.region"() ({
        %run_scoped3A = tpu.sem_alloc : memref<!tpu.dma_semaphore, #tpu.memory_space<semaphore_mem>>
        %dma_start3A = arith.constant 0 : i32
        %dma_start3A_53 = tpu.memref_slice %arg3[%add3A_52, %dma_start3A] : memref<20000x16xf32, #tpu.memory_space<hbm>> -> memref<16x16xf32, #tpu.memory_space<hbm>>
        %dma_start3A_54 = arith.constant 9984 : i32
        %dma_start3A_55 = arith.constant 0 : i32
        %dma_start3A_56 = tpu.memref_slice %arg4[%dma_start3A_54, %dma_start3A_55] : memref<10000x16xf32, #tpu.memory_space<vmem_shared>> -> memref<16x16xf32, #tpu.memory_space<vmem_shared>>
        tpu.enqueue_dma source(%dma_start3A_56 : memref<16x16xf32, #tpu.memory_space<vmem_shared>>) target(%dma_start3A_53 : memref<16x16xf32, #tpu.memory_space<hbm>>) target_semaphore(%run_scoped3A : memref<!tpu.dma_semaphore, #tpu.memory_space<semaphore_mem>>)
        %dma_wait3A = arith.constant 0 : i32
        %dma_wait3A_57 = tpu.memref_slice %arg3[%add3A_52, %dma_wait3A] : memref<20000x16xf32, #tpu.memory_space<hbm>> -> memref<16x16xf32, #tpu.memory_space<hbm>>
        %dma_wait3A_58 = arith.constant 9984 : i32
        %dma_wait3A_59 = arith.constant 0 : i32
        %dma_wait3A_60 = tpu.memref_slice %arg4[%dma_wait3A_58, %dma_wait3A_59] : memref<10000x16xf32, #tpu.memory_space<vmem_shared>> -> memref<16x16xf32, #tpu.memory_space<vmem_shared>>
        tpu.wait_dma2 semaphore(%run_scoped3A : memref<!tpu.dma_semaphore, #tpu.memory_space<semaphore_mem>>) src(%dma_wait3A_60 : memref<16x16xf32, #tpu.memory_space<vmem_shared>>) dst(%dma_wait3A_57 : memref<16x16xf32, #tpu.memory_space<hbm>>)
        tpu.yield
      }) : () -> ()
    } else {
    }
    return
  }
}

#map = affine_map<(d0, d1) -> (0, 0)>
#map1 = affine_map<(d0, d1) -> (0)>
module attributes {stable_mosaic.version = 14 : i64} {
  func.func @_edge_pass_l2(%arg0: i32, %arg1: i32, %arg2: memref<10000x128xf32, #tpu.memory_space<hbm>>, %arg3: memref<10000x128xf32, #tpu.memory_space<hbm>>, %arg4: memref<320000xi32, #tpu.memory_space<hbm>>, %arg5: memref<320000xi32, #tpu.memory_space<hbm>>, %arg6: memref<20000x128xf32, #tpu.memory_space<hbm>>, %arg7: memref<10000x128xf32, #tpu.memory_space<vmem_shared>>, %arg8: memref<128xi32, #tpu.memory_space<vmem>>, %arg9: memref<128xi32, #tpu.memory_space<vmem>>, %arg10: memref<128x128xf32, #tpu.memory_space<vmem>>, %arg11: memref<32xi32, #tpu.memory_space<vmem>>, %arg12: memref<32xi32, #tpu.memory_space<vmem>>, %arg13: memref<32x128xf32, #tpu.memory_space<vmem>>, %arg14: memref<!tpu.dma_semaphore, #tpu.memory_space<semaphore_mem>>) attributes {dimension_semantics = [#tpu.dimension_semantics<core_parallel>, #tpu.dimension_semantics<subcore_parallel>], iteration_bounds = array<i64: 2, 16>, scalar_prefetch = 0 : i64, scratch_operands = 8 : i64, tpu.core_type = #tpu.core_type<sc_vector_subcore>, window_params = [{transform_indices = #map}, {transform_indices = #map}, {transform_indices = #map1}, {transform_indices = #map1}, {transform_indices = #map}]} {
    %mul3A = arith.constant 624 : i32
    %mul3A_0 = arith.muli %arg1, %mul3A : i32
    %eq3A = arith.constant 0 : i32
    %eq3A_1 = arith.cmpi eq, %arg0, %eq3A : i32
    %convert_element_type3A = arith.extui %eq3A_1 : i1 to i32
    %cond3A = arith.constant 0 : i32
    %cond3A_2 = arith.cmpi ne, %convert_element_type3A, %cond3A : i32
    scf.if %cond3A_2 {
      "tpu.region"() ({
        %run_scoped3A = tpu.sem_alloc : memref<!tpu.dma_semaphore, #tpu.memory_space<semaphore_mem>>
        %dma_start3A = arith.constant 0 : i32
        %dma_start3A_33 = tpu.memref_slice %arg7[%mul3A_0, %dma_start3A] : memref<10000x128xf32, #tpu.memory_space<vmem_shared>> -> memref<624x128xf32, #tpu.memory_space<vmem_shared>>
        %dma_start3A_34 = arith.constant 0 : i32
        %dma_start3A_35 = tpu.memref_slice %arg2[%mul3A_0, %dma_start3A_34] : memref<10000x128xf32, #tpu.memory_space<hbm>> -> memref<624x128xf32, #tpu.memory_space<hbm>>
        tpu.enqueue_dma source(%dma_start3A_35 : memref<624x128xf32, #tpu.memory_space<hbm>>) target(%dma_start3A_33 : memref<624x128xf32, #tpu.memory_space<vmem_shared>>) target_semaphore(%run_scoped3A : memref<!tpu.dma_semaphore, #tpu.memory_space<semaphore_mem>>)
        %dma_wait3A = arith.constant 0 : i32
        %dma_wait3A_36 = tpu.memref_slice %arg7[%mul3A_0, %dma_wait3A] : memref<10000x128xf32, #tpu.memory_space<vmem_shared>> -> memref<624x128xf32, #tpu.memory_space<vmem_shared>>
        %dma_wait3A_37 = arith.constant 0 : i32
        %dma_wait3A_38 = tpu.memref_slice %arg2[%mul3A_0, %dma_wait3A_37] : memref<10000x128xf32, #tpu.memory_space<hbm>> -> memref<624x128xf32, #tpu.memory_space<hbm>>
        tpu.wait_dma2 semaphore(%run_scoped3A : memref<!tpu.dma_semaphore, #tpu.memory_space<semaphore_mem>>) src(%dma_wait3A_38 : memref<624x128xf32, #tpu.memory_space<hbm>>) dst(%dma_wait3A_36 : memref<624x128xf32, #tpu.memory_space<vmem_shared>>)
        tpu.yield
      }) : () -> ()
      %eq3A_28 = arith.constant 15 : i32
      %eq3A_29 = arith.cmpi eq, %arg1, %eq3A_28 : i32
      %convert_element_type3A_30 = arith.extui %eq3A_29 : i1 to i32
      %cond3A_31 = arith.constant 0 : i32
      %cond3A_32 = arith.cmpi ne, %convert_element_type3A_30, %cond3A_31 : i32
      scf.if %cond3A_32 {
        "tpu.region"() ({
          %run_scoped3A = tpu.sem_alloc : memref<!tpu.dma_semaphore, #tpu.memory_space<semaphore_mem>>
          %dma_start3A = arith.constant 9984 : i32
          %dma_start3A_33 = arith.constant 0 : i32
          %dma_start3A_34 = tpu.memref_slice %arg7[%dma_start3A, %dma_start3A_33] : memref<10000x128xf32, #tpu.memory_space<vmem_shared>> -> memref<16x128xf32, #tpu.memory_space<vmem_shared>>
          %dma_start3A_35 = arith.constant 9984 : i32
          %dma_start3A_36 = arith.constant 0 : i32
          %dma_start3A_37 = tpu.memref_slice %arg2[%dma_start3A_35, %dma_start3A_36] : memref<10000x128xf32, #tpu.memory_space<hbm>> -> memref<16x128xf32, #tpu.memory_space<hbm>>
          tpu.enqueue_dma source(%dma_start3A_37 : memref<16x128xf32, #tpu.memory_space<hbm>>) target(%dma_start3A_34 : memref<16x128xf32, #tpu.memory_space<vmem_shared>>) target_semaphore(%run_scoped3A : memref<!tpu.dma_semaphore, #tpu.memory_space<semaphore_mem>>)
          %dma_wait3A = arith.constant 9984 : i32
          %dma_wait3A_38 = arith.constant 0 : i32
          %dma_wait3A_39 = tpu.memref_slice %arg7[%dma_wait3A, %dma_wait3A_38] : memref<10000x128xf32, #tpu.memory_space<vmem_shared>> -> memref<16x128xf32, #tpu.memory_space<vmem_shared>>
          %dma_wait3A_40 = arith.constant 9984 : i32
          %dma_wait3A_41 = arith.constant 0 : i32
          %dma_wait3A_42 = tpu.memref_slice %arg2[%dma_wait3A_40, %dma_wait3A_41] : memref<10000x128xf32, #tpu.memory_space<hbm>> -> memref<16x128xf32, #tpu.memory_space<hbm>>
          tpu.wait_dma2 semaphore(%run_scoped3A : memref<!tpu.dma_semaphore, #tpu.memory_space<semaphore_mem>>) src(%dma_wait3A_42 : memref<16x128xf32, #tpu.memory_space<hbm>>) dst(%dma_wait3A_39 : memref<16x128xf32, #tpu.memory_space<vmem_shared>>)
          tpu.yield
        }) : () -> ()
      } else {
      }
    } else {
    }
    %eq3A_3 = arith.constant 1 : i32
    %eq3A_4 = arith.cmpi eq, %arg0, %eq3A_3 : i32
    %convert_element_type3A_5 = arith.extui %eq3A_4 : i1 to i32
    %cond3A_6 = arith.constant 0 : i32
    %cond3A_7 = arith.cmpi ne, %convert_element_type3A_5, %cond3A_6 : i32
    scf.if %cond3A_7 {
      "tpu.region"() ({
        %run_scoped3A = tpu.sem_alloc : memref<!tpu.dma_semaphore, #tpu.memory_space<semaphore_mem>>
        %dma_start3A = arith.constant 0 : i32
        %dma_start3A_33 = tpu.memref_slice %arg7[%mul3A_0, %dma_start3A] : memref<10000x128xf32, #tpu.memory_space<vmem_shared>> -> memref<624x128xf32, #tpu.memory_space<vmem_shared>>
        %dma_start3A_34 = arith.constant 0 : i32
        %dma_start3A_35 = tpu.memref_slice %arg3[%mul3A_0, %dma_start3A_34] : memref<10000x128xf32, #tpu.memory_space<hbm>> -> memref<624x128xf32, #tpu.memory_space<hbm>>
        tpu.enqueue_dma source(%dma_start3A_35 : memref<624x128xf32, #tpu.memory_space<hbm>>) target(%dma_start3A_33 : memref<624x128xf32, #tpu.memory_space<vmem_shared>>) target_semaphore(%run_scoped3A : memref<!tpu.dma_semaphore, #tpu.memory_space<semaphore_mem>>)
        %dma_wait3A = arith.constant 0 : i32
        %dma_wait3A_36 = tpu.memref_slice %arg7[%mul3A_0, %dma_wait3A] : memref<10000x128xf32, #tpu.memory_space<vmem_shared>> -> memref<624x128xf32, #tpu.memory_space<vmem_shared>>
        %dma_wait3A_37 = arith.constant 0 : i32
        %dma_wait3A_38 = tpu.memref_slice %arg3[%mul3A_0, %dma_wait3A_37] : memref<10000x128xf32, #tpu.memory_space<hbm>> -> memref<624x128xf32, #tpu.memory_space<hbm>>
        tpu.wait_dma2 semaphore(%run_scoped3A : memref<!tpu.dma_semaphore, #tpu.memory_space<semaphore_mem>>) src(%dma_wait3A_38 : memref<624x128xf32, #tpu.memory_space<hbm>>) dst(%dma_wait3A_36 : memref<624x128xf32, #tpu.memory_space<vmem_shared>>)
        tpu.yield
      }) : () -> ()
      %eq3A_28 = arith.constant 15 : i32
      %eq3A_29 = arith.cmpi eq, %arg1, %eq3A_28 : i32
      %convert_element_type3A_30 = arith.extui %eq3A_29 : i1 to i32
      %cond3A_31 = arith.constant 0 : i32
      %cond3A_32 = arith.cmpi ne, %convert_element_type3A_30, %cond3A_31 : i32
      scf.if %cond3A_32 {
        "tpu.region"() ({
          %run_scoped3A = tpu.sem_alloc : memref<!tpu.dma_semaphore, #tpu.memory_space<semaphore_mem>>
          %dma_start3A = arith.constant 9984 : i32
          %dma_start3A_33 = arith.constant 0 : i32
          %dma_start3A_34 = tpu.memref_slice %arg7[%dma_start3A, %dma_start3A_33] : memref<10000x128xf32, #tpu.memory_space<vmem_shared>> -> memref<16x128xf32, #tpu.memory_space<vmem_shared>>
          %dma_start3A_35 = arith.constant 9984 : i32
          %dma_start3A_36 = arith.constant 0 : i32
          %dma_start3A_37 = tpu.memref_slice %arg3[%dma_start3A_35, %dma_start3A_36] : memref<10000x128xf32, #tpu.memory_space<hbm>> -> memref<16x128xf32, #tpu.memory_space<hbm>>
          tpu.enqueue_dma source(%dma_start3A_37 : memref<16x128xf32, #tpu.memory_space<hbm>>) target(%dma_start3A_34 : memref<16x128xf32, #tpu.memory_space<vmem_shared>>) target_semaphore(%run_scoped3A : memref<!tpu.dma_semaphore, #tpu.memory_space<semaphore_mem>>)
          %dma_wait3A = arith.constant 9984 : i32
          %dma_wait3A_38 = arith.constant 0 : i32
          %dma_wait3A_39 = tpu.memref_slice %arg7[%dma_wait3A, %dma_wait3A_38] : memref<10000x128xf32, #tpu.memory_space<vmem_shared>> -> memref<16x128xf32, #tpu.memory_space<vmem_shared>>
          %dma_wait3A_40 = arith.constant 9984 : i32
          %dma_wait3A_41 = arith.constant 0 : i32
          %dma_wait3A_42 = tpu.memref_slice %arg3[%dma_wait3A_40, %dma_wait3A_41] : memref<10000x128xf32, #tpu.memory_space<hbm>> -> memref<16x128xf32, #tpu.memory_space<hbm>>
          tpu.wait_dma2 semaphore(%run_scoped3A : memref<!tpu.dma_semaphore, #tpu.memory_space<semaphore_mem>>) src(%dma_wait3A_42 : memref<16x128xf32, #tpu.memory_space<hbm>>) dst(%dma_wait3A_39 : memref<16x128xf32, #tpu.memory_space<vmem_shared>>)
          tpu.yield
        }) : () -> ()
      } else {
      }
    } else {
    }
    %barrier3A = arith.constant 0 : index
    tpu.barrier barrier_id(%barrier3A)
    %mul3A_8 = arith.constant 20000 : i32
    %mul3A_9 = arith.muli %arg1, %mul3A_8 : i32
    %eq3A_10 = arith.constant 0 : i32
    %eq3A_11 = arith.cmpi eq, %arg0, %eq3A_10 : i32
    %convert_element_type3A_12 = arith.extui %eq3A_11 : i1 to i32
    %cond3A_13 = arith.constant 0 : i32
    %cond3A_14 = arith.cmpi ne, %convert_element_type3A_12, %cond3A_13 : i32
    scf.if %cond3A_14 {
      %scan3A = arith.constant 0 : i32
      %scan3A_28 = arith.constant 0 : i32
      %scan3A_29 = arith.constant 156 : i32
      %scan3A_30 = arith.addi %scan3A_28, %scan3A_29 : i32
      %scan3A_31 = arith.constant 1 : i32
      %scan3A_32 = scf.for %scan3A_40 = %scan3A_28 to %scan3A_30 step %scan3A_31 iter_args(%scan3A_41 = %scan3A) -> (i32)  : i32 {
        %mul3A_42 = arith.constant 128 : i32
        %mul3A_43 = arith.muli %scan3A_40, %mul3A_42 : i32
        %add3A_44 = arith.addi %mul3A_9, %mul3A_43 : i32
        "tpu.region"() ({
          %run_scoped3A = tpu.sem_alloc : memref<!tpu.dma_semaphore, #tpu.memory_space<semaphore_mem>>
          %dma_start3A_52 = tpu.memref_slice %arg4[%add3A_44] : memref<320000xi32, #tpu.memory_space<hbm>> -> memref<128xi32, #tpu.memory_space<hbm>>
          %dma_start3A_53 = tpu.memref_slice %arg4[%add3A_44] : memref<320000xi32, #tpu.memory_space<hbm>> -> memref<128xi32, #tpu.memory_space<hbm>>
          tpu.enqueue_dma source(%dma_start3A_53 : memref<128xi32, #tpu.memory_space<hbm>>) target(%arg8 : memref<128xi32, #tpu.memory_space<vmem>>) target_semaphore(%run_scoped3A : memref<!tpu.dma_semaphore, #tpu.memory_space<semaphore_mem>>)
          %dma_wait3A_54 = tpu.memref_slice %arg4[%add3A_44] : memref<320000xi32, #tpu.memory_space<hbm>> -> memref<128xi32, #tpu.memory_space<hbm>>
          %dma_wait3A_55 = tpu.memref_slice %arg4[%add3A_44] : memref<320000xi32, #tpu.memory_space<hbm>> -> memref<128xi32, #tpu.memory_space<hbm>>
          tpu.wait_dma2 semaphore(%run_scoped3A : memref<!tpu.dma_semaphore, #tpu.memory_space<semaphore_mem>>) src(%dma_wait3A_55 : memref<128xi32, #tpu.memory_space<hbm>>) dst(%arg8 : memref<128xi32, #tpu.memory_space<vmem>>)
          tpu.yield
        }) : () -> ()
        "tpu.region"() ({
          %run_scoped3A = tpu.sem_alloc : memref<!tpu.dma_semaphore, #tpu.memory_space<semaphore_mem>>
          %dma_start3A_52 = tpu.memref_slice %arg5[%add3A_44] : memref<320000xi32, #tpu.memory_space<hbm>> -> memref<128xi32, #tpu.memory_space<hbm>>
          %dma_start3A_53 = tpu.memref_slice %arg5[%add3A_44] : memref<320000xi32, #tpu.memory_space<hbm>> -> memref<128xi32, #tpu.memory_space<hbm>>
          tpu.enqueue_dma source(%dma_start3A_53 : memref<128xi32, #tpu.memory_space<hbm>>) target(%arg9 : memref<128xi32, #tpu.memory_space<vmem>>) target_semaphore(%run_scoped3A : memref<!tpu.dma_semaphore, #tpu.memory_space<semaphore_mem>>)
          %dma_wait3A_54 = tpu.memref_slice %arg5[%add3A_44] : memref<320000xi32, #tpu.memory_space<hbm>> -> memref<128xi32, #tpu.memory_space<hbm>>
          %dma_wait3A_55 = tpu.memref_slice %arg5[%add3A_44] : memref<320000xi32, #tpu.memory_space<hbm>> -> memref<128xi32, #tpu.memory_space<hbm>>
          tpu.wait_dma2 semaphore(%run_scoped3A : memref<!tpu.dma_semaphore, #tpu.memory_space<semaphore_mem>>) src(%dma_wait3A_55 : memref<128xi32, #tpu.memory_space<hbm>>) dst(%arg9 : memref<128xi32, #tpu.memory_space<vmem>>)
          tpu.yield
        }) : () -> ()
        %dma_start3A_45 = arith.constant 0 : i32
        %dma_start3A_46 = arith.constant 0 : i32
        %dma_start3A_47 = tpu.memref_slice %arg2[%dma_start3A_45, %dma_start3A_46] : memref<10000x128xf32, #tpu.memory_space<hbm>> -> memref<10000x128xf32, #tpu.memory_space<hbm>>
        tpu.enqueue_indirect_dma source(%dma_start3A_47 : memref<10000x128xf32, #tpu.memory_space<hbm>>) target(%arg10 : memref<128x128xf32, #tpu.memory_space<vmem>>) offsets(%arg8 : memref<128xi32, #tpu.memory_space<vmem>>) semaphore(%arg14 : memref<!tpu.dma_semaphore, #tpu.memory_space<semaphore_mem>>)
        %dma_wait3A_48 = arith.constant 0 : i32
        %dma_wait3A_49 = arith.constant 0 : i32
        %dma_wait3A_50 = tpu.memref_slice %arg2[%dma_wait3A_48, %dma_wait3A_49] : memref<10000x128xf32, #tpu.memory_space<hbm>> -> memref<10000x128xf32, #tpu.memory_space<hbm>>
        tpu.wait_indirect_dma semaphore(%arg14 : memref<!tpu.dma_semaphore, #tpu.memory_space<semaphore_mem>>) src(%dma_wait3A_50 : memref<10000x128xf32, #tpu.memory_space<hbm>>) dst(%arg10 : memref<128x128xf32, #tpu.memory_space<vmem>>)
        "tpu.region"() ({
          %run_scoped3A = tpu.sem_alloc : memref<!tpu.dma_semaphore, #tpu.memory_space<semaphore_mem>>
          %dma_start3A_52 = arith.constant 0 : i32
          %dma_start3A_53 = arith.constant 0 : i32
          %dma_start3A_54 = tpu.memref_slice %arg7[%dma_start3A_52, %dma_start3A_53] : memref<10000x128xf32, #tpu.memory_space<vmem_shared>> -> memref<10000x128xf32, #tpu.memory_space<vmem_shared>>
          tpu.enqueue_indirect_dma source(%arg10 : memref<128x128xf32, #tpu.memory_space<vmem>>) target(%dma_start3A_54 : memref<10000x128xf32, #tpu.memory_space<vmem_shared>>) offsets(%arg9 : memref<128xi32, #tpu.memory_space<vmem>>) semaphore(%run_scoped3A : memref<!tpu.dma_semaphore, #tpu.memory_space<semaphore_mem>>) {add = true}
          %dma_wait3A_55 = arith.constant 0 : i32
          %dma_wait3A_56 = arith.constant 0 : i32
          %dma_wait3A_57 = tpu.memref_slice %arg7[%dma_wait3A_55, %dma_wait3A_56] : memref<10000x128xf32, #tpu.memory_space<vmem_shared>> -> memref<10000x128xf32, #tpu.memory_space<vmem_shared>>
          tpu.wait_indirect_dma semaphore(%run_scoped3A : memref<!tpu.dma_semaphore, #tpu.memory_space<semaphore_mem>>) src(%arg10 : memref<128x128xf32, #tpu.memory_space<vmem>>) dst(%dma_wait3A_57 : memref<10000x128xf32, #tpu.memory_space<vmem_shared>>)
          tpu.yield
        }) : () -> ()
        %scan3A_51 = arith.constant 0 : i32
        scf.yield %scan3A_51 : i32
      }
      %scan3A_33 = arith.constant 156 : i32
      %add3A_34 = arith.constant 19968 : i32
      %add3A_35 = arith.addi %mul3A_9, %add3A_34 : i32
      "tpu.region"() ({
        %run_scoped3A = tpu.sem_alloc : memref<!tpu.dma_semaphore, #tpu.memory_space<semaphore_mem>>
        %dma_start3A_40 = tpu.memref_slice %arg4[%add3A_35] : memref<320000xi32, #tpu.memory_space<hbm>> -> memref<32xi32, #tpu.memory_space<hbm>>
        %dma_start3A_41 = tpu.memref_slice %arg4[%add3A_35] : memref<320000xi32, #tpu.memory_space<hbm>> -> memref<32xi32, #tpu.memory_space<hbm>>
        tpu.enqueue_dma source(%dma_start3A_41 : memref<32xi32, #tpu.memory_space<hbm>>) target(%arg11 : memref<32xi32, #tpu.memory_space<vmem>>) target_semaphore(%run_scoped3A : memref<!tpu.dma_semaphore, #tpu.memory_space<semaphore_mem>>)
        %dma_wait3A_42 = tpu.memref_slice %arg4[%add3A_35] : memref<320000xi32, #tpu.memory_space<hbm>> -> memref<32xi32, #tpu.memory_space<hbm>>
        %dma_wait3A_43 = tpu.memref_slice %arg4[%add3A_35] : memref<320000xi32, #tpu.memory_space<hbm>> -> memref<32xi32, #tpu.memory_space<hbm>>
        tpu.wait_dma2 semaphore(%run_scoped3A : memref<!tpu.dma_semaphore, #tpu.memory_space<semaphore_mem>>) src(%dma_wait3A_43 : memref<32xi32, #tpu.memory_space<hbm>>) dst(%arg11 : memref<32xi32, #tpu.memory_space<vmem>>)
        tpu.yield
      }) : () -> ()
      "tpu.region"() ({
        %run_scoped3A = tpu.sem_alloc : memref<!tpu.dma_semaphore, #tpu.memory_space<semaphore_mem>>
        %dma_start3A_40 = tpu.memref_slice %arg5[%add3A_35] : memref<320000xi32, #tpu.memory_space<hbm>> -> memref<32xi32, #tpu.memory_space<hbm>>
        %dma_start3A_41 = tpu.memref_slice %arg5[%add3A_35] : memref<320000xi32, #tpu.memory_space<hbm>> -> memref<32xi32, #tpu.memory_space<hbm>>
        tpu.enqueue_dma source(%dma_start3A_41 : memref<32xi32, #tpu.memory_space<hbm>>) target(%arg12 : memref<32xi32, #tpu.memory_space<vmem>>) target_semaphore(%run_scoped3A : memref<!tpu.dma_semaphore, #tpu.memory_space<semaphore_mem>>)
        %dma_wait3A_42 = tpu.memref_slice %arg5[%add3A_35] : memref<320000xi32, #tpu.memory_space<hbm>> -> memref<32xi32, #tpu.memory_space<hbm>>
        %dma_wait3A_43 = tpu.memref_slice %arg5[%add3A_35] : memref<320000xi32, #tpu.memory_space<hbm>> -> memref<32xi32, #tpu.memory_space<hbm>>
        tpu.wait_dma2 semaphore(%run_scoped3A : memref<!tpu.dma_semaphore, #tpu.memory_space<semaphore_mem>>) src(%dma_wait3A_43 : memref<32xi32, #tpu.memory_space<hbm>>) dst(%arg12 : memref<32xi32, #tpu.memory_space<vmem>>)
        tpu.yield
      }) : () -> ()
      %dma_start3A = arith.constant 0 : i32
      %dma_start3A_36 = arith.constant 0 : i32
      %dma_start3A_37 = tpu.memref_slice %arg2[%dma_start3A, %dma_start3A_36] : memref<10000x128xf32, #tpu.memory_space<hbm>> -> memref<10000x128xf32, #tpu.memory_space<hbm>>
      tpu.enqueue_indirect_dma source(%dma_start3A_37 : memref<10000x128xf32, #tpu.memory_space<hbm>>) target(%arg13 : memref<32x128xf32, #tpu.memory_space<vmem>>) offsets(%arg11 : memref<32xi32, #tpu.memory_space<vmem>>) semaphore(%arg14 : memref<!tpu.dma_semaphore, #tpu.memory_space<semaphore_mem>>)
      %dma_wait3A = arith.constant 0 : i32
      %dma_wait3A_38 = arith.constant 0 : i32
      %dma_wait3A_39 = tpu.memref_slice %arg2[%dma_wait3A, %dma_wait3A_38] : memref<10000x128xf32, #tpu.memory_space<hbm>> -> memref<10000x128xf32, #tpu.memory_space<hbm>>
      tpu.wait_indirect_dma semaphore(%arg14 : memref<!tpu.dma_semaphore, #tpu.memory_space<semaphore_mem>>) src(%dma_wait3A_39 : memref<10000x128xf32, #tpu.memory_space<hbm>>) dst(%arg13 : memref<32x128xf32, #tpu.memory_space<vmem>>)
      "tpu.region"() ({
        %run_scoped3A = tpu.sem_alloc : memref<!tpu.dma_semaphore, #tpu.memory_space<semaphore_mem>>
        %dma_start3A_40 = arith.constant 0 : i32
        %dma_start3A_41 = arith.constant 0 : i32
        %dma_start3A_42 = tpu.memref_slice %arg7[%dma_start3A_40, %dma_start3A_41] : memref<10000x128xf32, #tpu.memory_space<vmem_shared>> -> memref<10000x128xf32, #tpu.memory_space<vmem_shared>>
        tpu.enqueue_indirect_dma source(%arg13 : memref<32x128xf32, #tpu.memory_space<vmem>>) target(%dma_start3A_42 : memref<10000x128xf32, #tpu.memory_space<vmem_shared>>) offsets(%arg12 : memref<32xi32, #tpu.memory_space<vmem>>) semaphore(%run_scoped3A : memref<!tpu.dma_semaphore, #tpu.memory_space<semaphore_mem>>) {add = true}
        %dma_wait3A_43 = arith.constant 0 : i32
        %dma_wait3A_44 = arith.constant 0 : i32
        %dma_wait3A_45 = tpu.memref_slice %arg7[%dma_wait3A_43, %dma_wait3A_44] : memref<10000x128xf32, #tpu.memory_space<vmem_shared>> -> memref<10000x128xf32, #tpu.memory_space<vmem_shared>>
        tpu.wait_indirect_dma semaphore(%run_scoped3A : memref<!tpu.dma_semaphore, #tpu.memory_space<semaphore_mem>>) src(%arg13 : memref<32x128xf32, #tpu.memory_space<vmem>>) dst(%dma_wait3A_45 : memref<10000x128xf32, #tpu.memory_space<vmem_shared>>)
        tpu.yield
      }) : () -> ()
    } else {
    }
    %eq3A_15 = arith.constant 1 : i32
    %eq3A_16 = arith.cmpi eq, %arg0, %eq3A_15 : i32
    %convert_element_type3A_17 = arith.extui %eq3A_16 : i1 to i32
    %cond3A_18 = arith.constant 0 : i32
    %cond3A_19 = arith.cmpi ne, %convert_element_type3A_17, %cond3A_18 : i32
    scf.if %cond3A_19 {
      %scan3A = arith.constant 0 : i32
      %scan3A_28 = arith.constant 0 : i32
      %scan3A_29 = arith.constant 156 : i32
      %scan3A_30 = arith.addi %scan3A_28, %scan3A_29 : i32
      %scan3A_31 = arith.constant 1 : i32
      %scan3A_32 = scf.for %scan3A_40 = %scan3A_28 to %scan3A_30 step %scan3A_31 iter_args(%scan3A_41 = %scan3A) -> (i32)  : i32 {
        %mul3A_42 = arith.constant 128 : i32
        %mul3A_43 = arith.muli %scan3A_40, %mul3A_42 : i32
        %add3A_44 = arith.addi %mul3A_9, %mul3A_43 : i32
        "tpu.region"() ({
          %run_scoped3A = tpu.sem_alloc : memref<!tpu.dma_semaphore, #tpu.memory_space<semaphore_mem>>
          %dma_start3A_52 = tpu.memref_slice %arg4[%add3A_44] : memref<320000xi32, #tpu.memory_space<hbm>> -> memref<128xi32, #tpu.memory_space<hbm>>
          %dma_start3A_53 = tpu.memref_slice %arg4[%add3A_44] : memref<320000xi32, #tpu.memory_space<hbm>> -> memref<128xi32, #tpu.memory_space<hbm>>
          tpu.enqueue_dma source(%dma_start3A_53 : memref<128xi32, #tpu.memory_space<hbm>>) target(%arg8 : memref<128xi32, #tpu.memory_space<vmem>>) target_semaphore(%run_scoped3A : memref<!tpu.dma_semaphore, #tpu.memory_space<semaphore_mem>>)
          %dma_wait3A_54 = tpu.memref_slice %arg4[%add3A_44] : memref<320000xi32, #tpu.memory_space<hbm>> -> memref<128xi32, #tpu.memory_space<hbm>>
          %dma_wait3A_55 = tpu.memref_slice %arg4[%add3A_44] : memref<320000xi32, #tpu.memory_space<hbm>> -> memref<128xi32, #tpu.memory_space<hbm>>
          tpu.wait_dma2 semaphore(%run_scoped3A : memref<!tpu.dma_semaphore, #tpu.memory_space<semaphore_mem>>) src(%dma_wait3A_55 : memref<128xi32, #tpu.memory_space<hbm>>) dst(%arg8 : memref<128xi32, #tpu.memory_space<vmem>>)
          tpu.yield
        }) : () -> ()
        "tpu.region"() ({
          %run_scoped3A = tpu.sem_alloc : memref<!tpu.dma_semaphore, #tpu.memory_space<semaphore_mem>>
          %dma_start3A_52 = tpu.memref_slice %arg5[%add3A_44] : memref<320000xi32, #tpu.memory_space<hbm>> -> memref<128xi32, #tpu.memory_space<hbm>>
          %dma_start3A_53 = tpu.memref_slice %arg5[%add3A_44] : memref<320000xi32, #tpu.memory_space<hbm>> -> memref<128xi32, #tpu.memory_space<hbm>>
          tpu.enqueue_dma source(%dma_start3A_53 : memref<128xi32, #tpu.memory_space<hbm>>) target(%arg9 : memref<128xi32, #tpu.memory_space<vmem>>) target_semaphore(%run_scoped3A : memref<!tpu.dma_semaphore, #tpu.memory_space<semaphore_mem>>)
          %dma_wait3A_54 = tpu.memref_slice %arg5[%add3A_44] : memref<320000xi32, #tpu.memory_space<hbm>> -> memref<128xi32, #tpu.memory_space<hbm>>
          %dma_wait3A_55 = tpu.memref_slice %arg5[%add3A_44] : memref<320000xi32, #tpu.memory_space<hbm>> -> memref<128xi32, #tpu.memory_space<hbm>>
          tpu.wait_dma2 semaphore(%run_scoped3A : memref<!tpu.dma_semaphore, #tpu.memory_space<semaphore_mem>>) src(%dma_wait3A_55 : memref<128xi32, #tpu.memory_space<hbm>>) dst(%arg9 : memref<128xi32, #tpu.memory_space<vmem>>)
          tpu.yield
        }) : () -> ()
        %dma_start3A_45 = arith.constant 0 : i32
        %dma_start3A_46 = arith.constant 0 : i32
        %dma_start3A_47 = tpu.memref_slice %arg3[%dma_start3A_45, %dma_start3A_46] : memref<10000x128xf32, #tpu.memory_space<hbm>> -> memref<10000x128xf32, #tpu.memory_space<hbm>>
        tpu.enqueue_indirect_dma source(%dma_start3A_47 : memref<10000x128xf32, #tpu.memory_space<hbm>>) target(%arg10 : memref<128x128xf32, #tpu.memory_space<vmem>>) offsets(%arg8 : memref<128xi32, #tpu.memory_space<vmem>>) semaphore(%arg14 : memref<!tpu.dma_semaphore, #tpu.memory_space<semaphore_mem>>)
        %dma_wait3A_48 = arith.constant 0 : i32
        %dma_wait3A_49 = arith.constant 0 : i32
        %dma_wait3A_50 = tpu.memref_slice %arg3[%dma_wait3A_48, %dma_wait3A_49] : memref<10000x128xf32, #tpu.memory_space<hbm>> -> memref<10000x128xf32, #tpu.memory_space<hbm>>
        tpu.wait_indirect_dma semaphore(%arg14 : memref<!tpu.dma_semaphore, #tpu.memory_space<semaphore_mem>>) src(%dma_wait3A_50 : memref<10000x128xf32, #tpu.memory_space<hbm>>) dst(%arg10 : memref<128x128xf32, #tpu.memory_space<vmem>>)
        "tpu.region"() ({
          %run_scoped3A = tpu.sem_alloc : memref<!tpu.dma_semaphore, #tpu.memory_space<semaphore_mem>>
          %dma_start3A_52 = arith.constant 0 : i32
          %dma_start3A_53 = arith.constant 0 : i32
          %dma_start3A_54 = tpu.memref_slice %arg7[%dma_start3A_52, %dma_start3A_53] : memref<10000x128xf32, #tpu.memory_space<vmem_shared>> -> memref<10000x128xf32, #tpu.memory_space<vmem_shared>>
          tpu.enqueue_indirect_dma source(%arg10 : memref<128x128xf32, #tpu.memory_space<vmem>>) target(%dma_start3A_54 : memref<10000x128xf32, #tpu.memory_space<vmem_shared>>) offsets(%arg9 : memref<128xi32, #tpu.memory_space<vmem>>) semaphore(%run_scoped3A : memref<!tpu.dma_semaphore, #tpu.memory_space<semaphore_mem>>) {add = true}
          %dma_wait3A_55 = arith.constant 0 : i32
          %dma_wait3A_56 = arith.constant 0 : i32
          %dma_wait3A_57 = tpu.memref_slice %arg7[%dma_wait3A_55, %dma_wait3A_56] : memref<10000x128xf32, #tpu.memory_space<vmem_shared>> -> memref<10000x128xf32, #tpu.memory_space<vmem_shared>>
          tpu.wait_indirect_dma semaphore(%run_scoped3A : memref<!tpu.dma_semaphore, #tpu.memory_space<semaphore_mem>>) src(%arg10 : memref<128x128xf32, #tpu.memory_space<vmem>>) dst(%dma_wait3A_57 : memref<10000x128xf32, #tpu.memory_space<vmem_shared>>)
          tpu.yield
        }) : () -> ()
        %scan3A_51 = arith.constant 0 : i32
        scf.yield %scan3A_51 : i32
      }
      %scan3A_33 = arith.constant 156 : i32
      %add3A_34 = arith.constant 19968 : i32
      %add3A_35 = arith.addi %mul3A_9, %add3A_34 : i32
      "tpu.region"() ({
        %run_scoped3A = tpu.sem_alloc : memref<!tpu.dma_semaphore, #tpu.memory_space<semaphore_mem>>
        %dma_start3A_40 = tpu.memref_slice %arg4[%add3A_35] : memref<320000xi32, #tpu.memory_space<hbm>> -> memref<32xi32, #tpu.memory_space<hbm>>
        %dma_start3A_41 = tpu.memref_slice %arg4[%add3A_35] : memref<320000xi32, #tpu.memory_space<hbm>> -> memref<32xi32, #tpu.memory_space<hbm>>
        tpu.enqueue_dma source(%dma_start3A_41 : memref<32xi32, #tpu.memory_space<hbm>>) target(%arg11 : memref<32xi32, #tpu.memory_space<vmem>>) target_semaphore(%run_scoped3A : memref<!tpu.dma_semaphore, #tpu.memory_space<semaphore_mem>>)
        %dma_wait3A_42 = tpu.memref_slice %arg4[%add3A_35] : memref<320000xi32, #tpu.memory_space<hbm>> -> memref<32xi32, #tpu.memory_space<hbm>>
        %dma_wait3A_43 = tpu.memref_slice %arg4[%add3A_35] : memref<320000xi32, #tpu.memory_space<hbm>> -> memref<32xi32, #tpu.memory_space<hbm>>
        tpu.wait_dma2 semaphore(%run_scoped3A : memref<!tpu.dma_semaphore, #tpu.memory_space<semaphore_mem>>) src(%dma_wait3A_43 : memref<32xi32, #tpu.memory_space<hbm>>) dst(%arg11 : memref<32xi32, #tpu.memory_space<vmem>>)
        tpu.yield
      }) : () -> ()
      "tpu.region"() ({
        %run_scoped3A = tpu.sem_alloc : memref<!tpu.dma_semaphore, #tpu.memory_space<semaphore_mem>>
        %dma_start3A_40 = tpu.memref_slice %arg5[%add3A_35] : memref<320000xi32, #tpu.memory_space<hbm>> -> memref<32xi32, #tpu.memory_space<hbm>>
        %dma_start3A_41 = tpu.memref_slice %arg5[%add3A_35] : memref<320000xi32, #tpu.memory_space<hbm>> -> memref<32xi32, #tpu.memory_space<hbm>>
        tpu.enqueue_dma source(%dma_start3A_41 : memref<32xi32, #tpu.memory_space<hbm>>) target(%arg12 : memref<32xi32, #tpu.memory_space<vmem>>) target_semaphore(%run_scoped3A : memref<!tpu.dma_semaphore, #tpu.memory_space<semaphore_mem>>)
        %dma_wait3A_42 = tpu.memref_slice %arg5[%add3A_35] : memref<320000xi32, #tpu.memory_space<hbm>> -> memref<32xi32, #tpu.memory_space<hbm>>
        %dma_wait3A_43 = tpu.memref_slice %arg5[%add3A_35] : memref<320000xi32, #tpu.memory_space<hbm>> -> memref<32xi32, #tpu.memory_space<hbm>>
        tpu.wait_dma2 semaphore(%run_scoped3A : memref<!tpu.dma_semaphore, #tpu.memory_space<semaphore_mem>>) src(%dma_wait3A_43 : memref<32xi32, #tpu.memory_space<hbm>>) dst(%arg12 : memref<32xi32, #tpu.memory_space<vmem>>)
        tpu.yield
      }) : () -> ()
      %dma_start3A = arith.constant 0 : i32
      %dma_start3A_36 = arith.constant 0 : i32
      %dma_start3A_37 = tpu.memref_slice %arg3[%dma_start3A, %dma_start3A_36] : memref<10000x128xf32, #tpu.memory_space<hbm>> -> memref<10000x128xf32, #tpu.memory_space<hbm>>
      tpu.enqueue_indirect_dma source(%dma_start3A_37 : memref<10000x128xf32, #tpu.memory_space<hbm>>) target(%arg13 : memref<32x128xf32, #tpu.memory_space<vmem>>) offsets(%arg11 : memref<32xi32, #tpu.memory_space<vmem>>) semaphore(%arg14 : memref<!tpu.dma_semaphore, #tpu.memory_space<semaphore_mem>>)
      %dma_wait3A = arith.constant 0 : i32
      %dma_wait3A_38 = arith.constant 0 : i32
      %dma_wait3A_39 = tpu.memref_slice %arg3[%dma_wait3A, %dma_wait3A_38] : memref<10000x128xf32, #tpu.memory_space<hbm>> -> memref<10000x128xf32, #tpu.memory_space<hbm>>
      tpu.wait_indirect_dma semaphore(%arg14 : memref<!tpu.dma_semaphore, #tpu.memory_space<semaphore_mem>>) src(%dma_wait3A_39 : memref<10000x128xf32, #tpu.memory_space<hbm>>) dst(%arg13 : memref<32x128xf32, #tpu.memory_space<vmem>>)
      "tpu.region"() ({
        %run_scoped3A = tpu.sem_alloc : memref<!tpu.dma_semaphore, #tpu.memory_space<semaphore_mem>>
        %dma_start3A_40 = arith.constant 0 : i32
        %dma_start3A_41 = arith.constant 0 : i32
        %dma_start3A_42 = tpu.memref_slice %arg7[%dma_start3A_40, %dma_start3A_41] : memref<10000x128xf32, #tpu.memory_space<vmem_shared>> -> memref<10000x128xf32, #tpu.memory_space<vmem_shared>>
        tpu.enqueue_indirect_dma source(%arg13 : memref<32x128xf32, #tpu.memory_space<vmem>>) target(%dma_start3A_42 : memref<10000x128xf32, #tpu.memory_space<vmem_shared>>) offsets(%arg12 : memref<32xi32, #tpu.memory_space<vmem>>) semaphore(%run_scoped3A : memref<!tpu.dma_semaphore, #tpu.memory_space<semaphore_mem>>) {add = true}
        %dma_wait3A_43 = arith.constant 0 : i32
        %dma_wait3A_44 = arith.constant 0 : i32
        %dma_wait3A_45 = tpu.memref_slice %arg7[%dma_wait3A_43, %dma_wait3A_44] : memref<10000x128xf32, #tpu.memory_space<vmem_shared>> -> memref<10000x128xf32, #tpu.memory_space<vmem_shared>>
        tpu.wait_indirect_dma semaphore(%run_scoped3A : memref<!tpu.dma_semaphore, #tpu.memory_space<semaphore_mem>>) src(%arg13 : memref<32x128xf32, #tpu.memory_space<vmem>>) dst(%dma_wait3A_45 : memref<10000x128xf32, #tpu.memory_space<vmem_shared>>)
        tpu.yield
      }) : () -> ()
    } else {
    }
    %barrier3A_20 = arith.constant 0 : index
    tpu.barrier barrier_id(%barrier3A_20)
    %mul3A_21 = arith.constant 10000 : i32
    %mul3A_22 = arith.muli %arg0, %mul3A_21 : i32
    %add3A = arith.addi %mul3A_22, %mul3A_0 : i32
    "tpu.region"() ({
      %run_scoped3A = tpu.sem_alloc : memref<!tpu.dma_semaphore, #tpu.memory_space<semaphore_mem>>
      %dma_start3A = arith.constant 0 : i32
      %dma_start3A_28 = tpu.memref_slice %arg6[%add3A, %dma_start3A] : memref<20000x128xf32, #tpu.memory_space<hbm>> -> memref<624x128xf32, #tpu.memory_space<hbm>>
      %dma_start3A_29 = arith.constant 0 : i32
      %dma_start3A_30 = tpu.memref_slice %arg7[%mul3A_0, %dma_start3A_29] : memref<10000x128xf32, #tpu.memory_space<vmem_shared>> -> memref<624x128xf32, #tpu.memory_space<vmem_shared>>
      tpu.enqueue_dma source(%dma_start3A_30 : memref<624x128xf32, #tpu.memory_space<vmem_shared>>) target(%dma_start3A_28 : memref<624x128xf32, #tpu.memory_space<hbm>>) target_semaphore(%run_scoped3A : memref<!tpu.dma_semaphore, #tpu.memory_space<semaphore_mem>>)
      %dma_wait3A = arith.constant 0 : i32
      %dma_wait3A_31 = tpu.memref_slice %arg6[%add3A, %dma_wait3A] : memref<20000x128xf32, #tpu.memory_space<hbm>> -> memref<624x128xf32, #tpu.memory_space<hbm>>
      %dma_wait3A_32 = arith.constant 0 : i32
      %dma_wait3A_33 = tpu.memref_slice %arg7[%mul3A_0, %dma_wait3A_32] : memref<10000x128xf32, #tpu.memory_space<vmem_shared>> -> memref<624x128xf32, #tpu.memory_space<vmem_shared>>
      tpu.wait_dma2 semaphore(%run_scoped3A : memref<!tpu.dma_semaphore, #tpu.memory_space<semaphore_mem>>) src(%dma_wait3A_33 : memref<624x128xf32, #tpu.memory_space<vmem_shared>>) dst(%dma_wait3A_31 : memref<624x128xf32, #tpu.memory_space<hbm>>)
      tpu.yield
    }) : () -> ()
    %eq3A_23 = arith.constant 15 : i32
    %eq3A_24 = arith.cmpi eq, %arg1, %eq3A_23 : i32
    %convert_element_type3A_25 = arith.extui %eq3A_24 : i1 to i32
    %cond3A_26 = arith.constant 0 : i32
    %cond3A_27 = arith.cmpi ne, %convert_element_type3A_25, %cond3A_26 : i32
    scf.if %cond3A_27 {
      %mul3A_28 = arith.constant 10000 : i32
      %mul3A_29 = arith.muli %arg0, %mul3A_28 : i32
      %add3A_30 = arith.constant 9984 : i32
      %add3A_31 = arith.addi %mul3A_29, %add3A_30 : i32
      "tpu.region"() ({
        %run_scoped3A = tpu.sem_alloc : memref<!tpu.dma_semaphore, #tpu.memory_space<semaphore_mem>>
        %dma_start3A = arith.constant 0 : i32
        %dma_start3A_32 = tpu.memref_slice %arg6[%add3A_31, %dma_start3A] : memref<20000x128xf32, #tpu.memory_space<hbm>> -> memref<16x128xf32, #tpu.memory_space<hbm>>
        %dma_start3A_33 = arith.constant 9984 : i32
        %dma_start3A_34 = arith.constant 0 : i32
        %dma_start3A_35 = tpu.memref_slice %arg7[%dma_start3A_33, %dma_start3A_34] : memref<10000x128xf32, #tpu.memory_space<vmem_shared>> -> memref<16x128xf32, #tpu.memory_space<vmem_shared>>
        tpu.enqueue_dma source(%dma_start3A_35 : memref<16x128xf32, #tpu.memory_space<vmem_shared>>) target(%dma_start3A_32 : memref<16x128xf32, #tpu.memory_space<hbm>>) target_semaphore(%run_scoped3A : memref<!tpu.dma_semaphore, #tpu.memory_space<semaphore_mem>>)
        %dma_wait3A = arith.constant 0 : i32
        %dma_wait3A_36 = tpu.memref_slice %arg6[%add3A_31, %dma_wait3A] : memref<20000x128xf32, #tpu.memory_space<hbm>> -> memref<16x128xf32, #tpu.memory_space<hbm>>
        %dma_wait3A_37 = arith.constant 9984 : i32
        %dma_wait3A_38 = arith.constant 0 : i32
        %dma_wait3A_39 = tpu.memref_slice %arg7[%dma_wait3A_37, %dma_wait3A_38] : memref<10000x128xf32, #tpu.memory_space<vmem_shared>> -> memref<16x128xf32, #tpu.memory_space<vmem_shared>>
        tpu.wait_dma2 semaphore(%run_scoped3A : memref<!tpu.dma_semaphore, #tpu.memory_space<semaphore_mem>>) src(%dma_wait3A_39 : memref<16x128xf32, #tpu.memory_space<vmem_shared>>) dst(%dma_wait3A_36 : memref<16x128xf32, #tpu.memory_space<hbm>>)
        tpu.yield
      }) : () -> ()
    } else {
    }
    return
  }
}

module attributes {stable_mosaic.version = 14 : i64} {
  func.func @_mm2_body(%arg0: i32, %arg1: i32, %arg2: memref<2x1000x128xf32, #tpu.memory_space<vmem>>, %arg3: memref<2x1000x16xf32, #tpu.memory_space<vmem>>, %arg4: memref<1x128xf32, #tpu.memory_space<vmem>>, %arg5: memref<128x128xf32, #tpu.memory_space<vmem>>, %arg6: memref<1000x128xf32, #tpu.memory_space<vmem>>) attributes {dimension_semantics = [#tpu.dimension_semantics<arbitrary>, #tpu.dimension_semantics<arbitrary>], iteration_bounds = array<i64: 10, 2>, scalar_prefetch = 0 : i64, scratch_operands = 0 : i64, tpu.core_type = #tpu.core_type<tc>, window_params = [{transform_indices = @transform_0, window_bounds = array<i64: 2, 1000, 128>}, {transform_indices = @transform_1, window_bounds = array<i64: 2, 1000, 16>}, {pipeline_mode = #tpu.pipeline_mode<synchronous>, transform_indices = @transform_2, window_bounds = array<i64: 1, 128>}, {transform_indices = @transform_3, window_bounds = array<i64: 128, 128>}, {transform_indices = @transform_4, window_bounds = array<i64: 1000, 128>}]} {
    %get3A = arith.constant 0 : index
    %get3A_0 = arith.constant 0 : index
    %get3A_1 = arith.constant 0 : index
    %get3A_2 = vector.load %arg3[%get3A, %get3A_0, %get3A_1] : memref<2x1000x16xf32, #tpu.memory_space<vmem>>, vector<2x1000x16xf32>
    %slice3A = vector.extract_strided_slice %get3A_2 {offsets = [0, 0, 0], sizes = [1, 1000, 1], strides = [1, 1, 1]} : vector<2x1000x16xf32> to vector<1x1000x1xf32>
    %squeeze3A = vector.shape_cast %slice3A : vector<1x1000x1xf32> to vector<1000xf32>
    %slice3A_3 = vector.extract_strided_slice %get3A_2 {offsets = [1, 0, 0], sizes = [1, 1000, 1], strides = [1, 1, 1]} : vector<2x1000x16xf32> to vector<1x1000x1xf32>
    %squeeze3A_4 = vector.shape_cast %slice3A_3 : vector<1x1000x1xf32> to vector<1000xf32>
    %add3A = arith.addf %squeeze3A, %squeeze3A_4 : vector<1000xf32>
    %add3A_5 = arith.constant 1.000000e+00 : f32
    %add3A_6 = vector.broadcast %add3A_5 : f32 to vector<1000xf32>
    %add3A_7 = arith.addf %add3A, %add3A_6 : vector<1000xf32>
    %rsqrt3A = math.rsqrt %add3A_7 : vector<1000xf32>
    %get3A_8 = arith.constant 0 : index
    %get3A_9 = arith.constant 0 : index
    %get3A_10 = arith.constant 0 : index
    %get3A_11 = vector.load %arg2[%get3A_8, %get3A_9, %get3A_10] : memref<2x1000x128xf32, #tpu.memory_space<vmem>>, vector<1x1000x128xf32>
    %get3A_12 = vector.shape_cast %get3A_11 : vector<1x1000x128xf32> to vector<1000x128xf32>
    %get3A_13 = arith.constant 1 : index
    %get3A_14 = arith.constant 0 : index
    %get3A_15 = arith.constant 0 : index
    %get3A_16 = vector.load %arg2[%get3A_13, %get3A_14, %get3A_15] : memref<2x1000x128xf32, #tpu.memory_space<vmem>>, vector<1x1000x128xf32>
    %get3A_17 = vector.shape_cast %get3A_16 : vector<1x1000x128xf32> to vector<1000x128xf32>
    %add3A_18 = arith.addf %get3A_12, %get3A_17 : vector<1000x128xf32>
    %broadcast_in_dim3A = vector.shape_cast %rsqrt3A : vector<1000xf32> to vector<1000x1xf32>
    %mul3A = vector.broadcast %broadcast_in_dim3A : vector<1000x1xf32> to vector<1000x128xf32>
    %mul3A_19 = arith.mulf %add3A_18, %mul3A : vector<1000x128xf32>
    %get3A_20 = arith.constant 0 : index
    %get3A_21 = arith.constant 0 : index
    %get3A_22 = vector.load %arg4[%get3A_20, %get3A_21] : memref<1x128xf32, #tpu.memory_space<vmem>>, vector<1x128xf32>
    %get3A_23 = vector.shape_cast %get3A_22 : vector<1x128xf32> to vector<128xf32>
    %broadcast_in_dim3A_24 = vector.shape_cast %get3A_23 : vector<128xf32> to vector<1x128xf32>
    %add3A_25 = vector.broadcast %broadcast_in_dim3A_24 : vector<1x128xf32> to vector<1000x128xf32>
    %add3A_26 = arith.addf %mul3A_19, %add3A_25 : vector<1000x128xf32>
    %max3A = arith.constant 0.000000e+00 : f32
    %max3A_27 = vector.broadcast %max3A : f32 to vector<1000x128xf32>
    %max3A_28 = arith.maximumf %add3A_26, %max3A_27 : vector<1000x128xf32>
    %get3A_29 = arith.constant 0 : index
    %get3A_30 = arith.constant 0 : index
    %get3A_31 = vector.load %arg5[%get3A_29, %get3A_30] : memref<128x128xf32, #tpu.memory_space<vmem>>, vector<128x128xf32>
    %dot_general3A = arith.constant dense<0.000000e+00> : vector<1000x128xf32>
    %dot_general3A_32 = tpu.matmul %max3A_28, %get3A_31, %dot_general3A {dimension_numbers = #tpu.dot_dimension_numbers<[1], [0], [0], [1], [0, 0, 1, 1], [], []>, transpose_lhs_hint = false} : vector<1000x128xf32>, vector<128x128xf32>, vector<1000x128xf32> -> vector<1000x128xf32>
    %broadcast_in_dim3A_33 = vector.shape_cast %rsqrt3A : vector<1000xf32> to vector<1000x1xf32>
    %mul3A_34 = vector.broadcast %broadcast_in_dim3A_33 : vector<1000x1xf32> to vector<1000x128xf32>
    %mul3A_35 = arith.mulf %dot_general3A_32, %mul3A_34 : vector<1000x128xf32>
    %swap3A = arith.constant 0 : index
    %swap3A_36 = arith.constant 0 : index
    %swap3A_37 = vector.load %arg6[%swap3A, %swap3A_36] : memref<1000x128xf32, #tpu.memory_space<vmem>>, vector<1000x128xf32>
    tpu.vector_store %arg6[%swap3A, %swap3A_36], %mul3A_35 {strides = array<i32>} : memref<1000x128xf32, #tpu.memory_space<vmem>>, vector<1000x128xf32>,
    return
  }
  func.func @transform_0(%arg0: i32, %arg1: i32) -> (i32, i32, i32) {
    %c0_i32 = arith.constant 0 : i32
    %c0_i32_0 = arith.constant 0 : i32
    %c0_i32_1 = arith.constant 0 : i32
    return %c0_i32, %arg0, %c0_i32_0 : i32, i32, i32
  }
  func.func @transform_1(%arg0: i32, %arg1: i32) -> (i32, i32, i32) {
    %c0_i32 = arith.constant 0 : i32
    %c0_i32_0 = arith.constant 0 : i32
    %c0_i32_1 = arith.constant 0 : i32
    return %c0_i32, %arg0, %c0_i32_0 : i32, i32, i32
  }
  func.func @transform_2(%arg0: i32, %arg1: i32) -> (i32, i32) {
    %c0_i32 = arith.constant 0 : i32
    %c0_i32_0 = arith.constant 0 : i32
    %c0_i32_1 = arith.constant 0 : i32
    return %c0_i32, %c0_i32_0 : i32, i32
  }
  func.func @transform_3(%arg0: i32, %arg1: i32) -> (i32, i32) {
    %c0_i32 = arith.constant 0 : i32
    %c0_i32_0 = arith.constant 0 : i32
    return %c0_i32, %arg1 : i32, i32
  }
  func.func @transform_4(%arg0: i32, %arg1: i32) -> (i32, i32) {
    %mul3A = arith.constant 10 : i32
    %mul3A_0 = arith.muli %arg1, %mul3A : i32
    %add3A = arith.addi %mul3A_0, %arg0 : i32
    %c0_i32 = arith.constant 0 : i32
    %c0_i32_1 = arith.constant 0 : i32
    return %add3A, %c0_i32 : i32, i32
  }
}

module attributes {stable_mosaic.version = 14 : i64} {
  func.func @_mm1_body(%arg0: i32, %arg1: memref<1000x128xf32, #tpu.memory_space<vmem>>, %arg2: memref<128x128xf32, #tpu.memory_space<vmem>>, %arg3: memref<2x1000x16xf32, #tpu.memory_space<vmem>>, %arg4: memref<1000x128xf32, #tpu.memory_space<vmem>>) attributes {dimension_semantics = [#tpu.dimension_semantics<arbitrary>], iteration_bounds = array<i64: 10>, scalar_prefetch = 0 : i64, scratch_operands = 0 : i64, tpu.core_type = #tpu.core_type<tc>, window_params = [{transform_indices = @transform_0, window_bounds = array<i64: 1000, 128>}, {pipeline_mode = #tpu.pipeline_mode<synchronous>, transform_indices = @transform_1, window_bounds = array<i64: 128, 128>}, {transform_indices = @transform_2, window_bounds = array<i64: 2, 1000, 16>}, {transform_indices = @transform_3, window_bounds = array<i64: 1000, 128>}]} {
    %get3A = arith.constant 0 : index
    %get3A_0 = arith.constant 0 : index
    %get3A_1 = arith.constant 0 : index
    %get3A_2 = vector.load %arg3[%get3A, %get3A_0, %get3A_1] : memref<2x1000x16xf32, #tpu.memory_space<vmem>>, vector<2x1000x16xf32>
    %slice3A = vector.extract_strided_slice %get3A_2 {offsets = [0, 0, 0], sizes = [1, 1000, 1], strides = [1, 1, 1]} : vector<2x1000x16xf32> to vector<1x1000x1xf32>
    %squeeze3A = vector.shape_cast %slice3A : vector<1x1000x1xf32> to vector<1000xf32>
    %slice3A_3 = vector.extract_strided_slice %get3A_2 {offsets = [1, 0, 0], sizes = [1, 1000, 1], strides = [1, 1, 1]} : vector<2x1000x16xf32> to vector<1x1000x1xf32>
    %squeeze3A_4 = vector.shape_cast %slice3A_3 : vector<1x1000x1xf32> to vector<1000xf32>
    %add3A = arith.addf %squeeze3A, %squeeze3A_4 : vector<1000xf32>
    %add3A_5 = arith.constant 1.000000e+00 : f32
    %add3A_6 = vector.broadcast %add3A_5 : f32 to vector<1000xf32>
    %add3A_7 = arith.addf %add3A, %add3A_6 : vector<1000xf32>
    %rsqrt3A = math.rsqrt %add3A_7 : vector<1000xf32>
    %get3A_8 = arith.constant 0 : index
    %get3A_9 = arith.constant 0 : index
    %get3A_10 = vector.load %arg1[%get3A_8, %get3A_9] : memref<1000x128xf32, #tpu.memory_space<vmem>>, vector<1000x128xf32>
    %get3A_11 = arith.constant 0 : index
    %get3A_12 = arith.constant 0 : index
    %get3A_13 = vector.load %arg2[%get3A_11, %get3A_12] : memref<128x128xf32, #tpu.memory_space<vmem>>, vector<128x128xf32>
    %dot_general3A = arith.constant dense<0.000000e+00> : vector<1000x128xf32>
    %dot_general3A_14 = tpu.matmul %get3A_10, %get3A_13, %dot_general3A {dimension_numbers = #tpu.dot_dimension_numbers<[1], [0], [0], [1], [0, 0, 1, 1], [], []>, transpose_lhs_hint = false} : vector<1000x128xf32>, vector<128x128xf32>, vector<1000x128xf32> -> vector<1000x128xf32>
    %broadcast_in_dim3A = vector.shape_cast %rsqrt3A : vector<1000xf32> to vector<1000x1xf32>
    %mul3A = vector.broadcast %broadcast_in_dim3A : vector<1000x1xf32> to vector<1000x128xf32>
    %mul3A_15 = arith.mulf %dot_general3A_14, %mul3A : vector<1000x128xf32>
    %swap3A = arith.constant 0 : index
    %swap3A_16 = arith.constant 0 : index
    %swap3A_17 = vector.load %arg4[%swap3A, %swap3A_16] : memref<1000x128xf32, #tpu.memory_space<vmem>>, vector<1000x128xf32>
    tpu.vector_store %arg4[%swap3A, %swap3A_16], %mul3A_15 {strides = array<i32>} : memref<1000x128xf32, #tpu.memory_space<vmem>>, vector<1000x128xf32>,
    return
  }
  func.func @transform_0(%arg0: i32) -> (i32, i32) {
    %c0_i32 = arith.constant 0 : i32
    %c0_i32_0 = arith.constant 0 : i32
    return %arg0, %c0_i32 : i32, i32
  }
  func.func @transform_1(%arg0: i32) -> (i32, i32) {
    %c0_i32 = arith.constant 0 : i32
    %c0_i32_0 = arith.constant 0 : i32
    %c0_i32_1 = arith.constant 0 : i32
    return %c0_i32, %c0_i32_0 : i32, i32
  }
  func.func @transform_2(%arg0: i32) -> (i32, i32, i32) {
    %c0_i32 = arith.constant 0 : i32
    %c0_i32_0 = arith.constant 0 : i32
    %c0_i32_1 = arith.constant 0 : i32
    return %c0_i32, %arg0, %c0_i32_0 : i32, i32, i32
  }
  func.func @transform_3(%arg0: i32) -> (i32, i32) {
    %c0_i32 = arith.constant 0 : i32
    %c0_i32_0 = arith.constant 0 : i32
    return %arg0, %c0_i32 : i32, i32
  }
}

module attributes {stable_mosaic.version = 14 : i64} {
  func.func @_mm3_body(%arg0: i32, %arg1: memref<2x1000x128xf32, #tpu.memory_space<vmem>>, %arg2: memref<2x1000x16xf32, #tpu.memory_space<vmem>>, %arg3: memref<1x256xf32, #tpu.memory_space<vmem>>, %arg4: memref<256x1xf32, #tpu.memory_space<vmem>>, %arg5: memref<1x1xf32, #tpu.memory_space<vmem>>, %arg6: memref<1000x1xf32, #tpu.memory_space<vmem>>) attributes {dimension_semantics = [#tpu.dimension_semantics<arbitrary>], iteration_bounds = array<i64: 10>, scalar_prefetch = 0 : i64, scratch_operands = 0 : i64, tpu.core_type = #tpu.core_type<tc>, window_params = [{transform_indices = @transform_0, window_bounds = array<i64: 2, 1000, 128>}, {transform_indices = @transform_1, window_bounds = array<i64: 2, 1000, 16>}, {pipeline_mode = #tpu.pipeline_mode<synchronous>, transform_indices = @transform_2, window_bounds = array<i64: 1, 256>}, {pipeline_mode = #tpu.pipeline_mode<synchronous>, transform_indices = @transform_3, window_bounds = array<i64: 256, 1>}, {pipeline_mode = #tpu.pipeline_mode<synchronous>, transform_indices = @transform_4, window_bounds = array<i64: 1, 1>}, {transform_indices = @transform_5, window_bounds = array<i64: 1000, 1>}]} {
    %get3A = arith.constant 0 : index
    %get3A_0 = arith.constant 0 : index
    %get3A_1 = arith.constant 0 : index
    %get3A_2 = vector.load %arg2[%get3A, %get3A_0, %get3A_1] : memref<2x1000x16xf32, #tpu.memory_space<vmem>>, vector<2x1000x16xf32>
    %slice3A = vector.extract_strided_slice %get3A_2 {offsets = [0, 0, 0], sizes = [1, 1000, 1], strides = [1, 1, 1]} : vector<2x1000x16xf32> to vector<1x1000x1xf32>
    %squeeze3A = vector.shape_cast %slice3A : vector<1x1000x1xf32> to vector<1000xf32>
    %slice3A_3 = vector.extract_strided_slice %get3A_2 {offsets = [1, 0, 0], sizes = [1, 1000, 1], strides = [1, 1, 1]} : vector<2x1000x16xf32> to vector<1x1000x1xf32>
    %squeeze3A_4 = vector.shape_cast %slice3A_3 : vector<1x1000x1xf32> to vector<1000xf32>
    %add3A = arith.addf %squeeze3A, %squeeze3A_4 : vector<1000xf32>
    %add3A_5 = arith.constant 1.000000e+00 : f32
    %add3A_6 = vector.broadcast %add3A_5 : f32 to vector<1000xf32>
    %add3A_7 = arith.addf %add3A, %add3A_6 : vector<1000xf32>
    %rsqrt3A = math.rsqrt %add3A_7 : vector<1000xf32>
    %get3A_8 = arith.constant 0 : index
    %get3A_9 = arith.constant 0 : index
    %get3A_10 = arith.constant 0 : index
    %get3A_11 = vector.load %arg1[%get3A_8, %get3A_9, %get3A_10] : memref<2x1000x128xf32, #tpu.memory_space<vmem>>, vector<1x1000x128xf32>
    %get3A_12 = vector.shape_cast %get3A_11 : vector<1x1000x128xf32> to vector<1000x128xf32>
    %get3A_13 = arith.constant 1 : index
    %get3A_14 = arith.constant 0 : index
    %get3A_15 = arith.constant 0 : index
    %get3A_16 = vector.load %arg1[%get3A_13, %get3A_14, %get3A_15] : memref<2x1000x128xf32, #tpu.memory_space<vmem>>, vector<1x1000x128xf32>
    %get3A_17 = vector.shape_cast %get3A_16 : vector<1x1000x128xf32> to vector<1000x128xf32>
    %concatenate3A = tpu.concatenate %get3A_12, %get3A_17 in 1 : vector<1000x128xf32>, vector<1000x128xf32> -> vector<1000x256xf32>
    %broadcast_in_dim3A = vector.shape_cast %rsqrt3A : vector<1000xf32> to vector<1000x1xf32>
    %mul3A = vector.broadcast %broadcast_in_dim3A : vector<1000x1xf32> to vector<1000x256xf32>
    %mul3A_18 = arith.mulf %concatenate3A, %mul3A : vector<1000x256xf32>
    %get3A_19 = arith.constant 0 : index
    %get3A_20 = arith.constant 0 : index
    %get3A_21 = vector.load %arg3[%get3A_19, %get3A_20] : memref<1x256xf32, #tpu.memory_space<vmem>>, vector<1x256xf32>
    %get3A_22 = vector.shape_cast %get3A_21 : vector<1x256xf32> to vector<256xf32>
    %broadcast_in_dim3A_23 = vector.shape_cast %get3A_22 : vector<256xf32> to vector<1x256xf32>
    %add3A_24 = vector.broadcast %broadcast_in_dim3A_23 : vector<1x256xf32> to vector<1000x256xf32>
    %add3A_25 = arith.addf %mul3A_18, %add3A_24 : vector<1000x256xf32>
    %get3A_26 = arith.constant 0 : index
    %get3A_27 = arith.constant 0 : index
    %get3A_28 = vector.load %arg4[%get3A_26, %get3A_27] : memref<256x1xf32, #tpu.memory_space<vmem>>, vector<256x1xf32>
    %dot_general3A = arith.constant dense<0.000000e+00> : vector<1000x1xf32>
    %dot_general3A_29 = tpu.matmul %add3A_25, %get3A_28, %dot_general3A {dimension_numbers = #tpu.dot_dimension_numbers<[1], [0], [0], [1], [0, 0, 1, 1], [], []>, transpose_lhs_hint = false} : vector<1000x256xf32>, vector<256x1xf32>, vector<1000x1xf32> -> vector<1000x1xf32>
    %get3A_30 = arith.constant 0 : index
    %get3A_31 = arith.constant 0 : index
    %get3A_32 = vector.load %arg5[%get3A_30, %get3A_31] : memref<1x1xf32, #tpu.memory_space<vmem>>, vector<1x1xf32>
    %get3A_33 = vector.extract %get3A_32[0, 0] : f32 from vector<1x1xf32>
    %add3A_34 = vector.broadcast %get3A_33 : f32 to vector<1000x1xf32>
    %add3A_35 = arith.addf %dot_general3A_29, %add3A_34 : vector<1000x1xf32>
    %swap3A = arith.constant 0 : index
    %swap3A_36 = arith.constant 0 : index
    %swap3A_37 = vector.load %arg6[%swap3A, %swap3A_36] : memref<1000x1xf32, #tpu.memory_space<vmem>>, vector<1000x1xf32>
    tpu.vector_store %arg6[%swap3A, %swap3A_36], %add3A_35 {strides = array<i32>} : memref<1000x1xf32, #tpu.memory_space<vmem>>, vector<1000x1xf32>,
    return
  }
  func.func @transform_0(%arg0: i32) -> (i32, i32, i32) {
    %c0_i32 = arith.constant 0 : i32
    %c0_i32_0 = arith.constant 0 : i32
    %c0_i32_1 = arith.constant 0 : i32
    return %c0_i32, %arg0, %c0_i32_0 : i32, i32, i32
  }
  func.func @transform_1(%arg0: i32) -> (i32, i32, i32) {
    %c0_i32 = arith.constant 0 : i32
    %c0_i32_0 = arith.constant 0 : i32
    %c0_i32_1 = arith.constant 0 : i32
    return %c0_i32, %arg0, %c0_i32_0 : i32, i32, i32
  }
  func.func @transform_2(%arg0: i32) -> (i32, i32) {
    %c0_i32 = arith.constant 0 : i32
    %c0_i32_0 = arith.constant 0 : i32
    %c0_i32_1 = arith.constant 0 : i32
    return %c0_i32, %c0_i32_0 : i32, i32
  }
  func.func @transform_3(%arg0: i32) -> (i32, i32) {
    %c0_i32 = arith.constant 0 : i32
    %c0_i32_0 = arith.constant 0 : i32
    %c0_i32_1 = arith.constant 0 : i32
    return %c0_i32, %c0_i32_0 : i32, i32
  }
  func.func @transform_4(%arg0: i32) -> (i32, i32) {
    %c0_i32 = arith.constant 0 : i32
    %c0_i32_0 = arith.constant 0 : i32
    %c0_i32_1 = arith.constant 0 : i32
    return %c0_i32, %c0_i32_0 : i32, i32
  }
  func.func @transform_5(%arg0: i32) -> (i32, i32) {
    %c0_i32 = arith.constant 0 : i32
    %c0_i32_0 = arith.constant 0 : i32
    return %arg0, %c0_i32 : i32, i32
  }
}

</mosaic_0001>

<sc_bundles>
// kernel: kernel.12.cloned.1.call-start
scs
__scs_entry_jumppad:
0x0: {  	(pc) =	sbr.rel $0x88, $3  }
0x1: {  	(tag) =	ssettag $0x0;
	lr =	simm.s32 $0x1  }
0x2: {  	[smem:$0x3F98] =	sst lr;
	_ =	strace $0xD0000000  }
0x3: {  	_ = 	snop  }
0x4: {  	_ = 	snop  }
0x5: {  	_ = 	snop  }
0x6: {  	_ = 	snop  }
0x7: {  	_ = 	snop  }
__scs_overlays_trampoline_lowered:
0x8: {  	[smem:$0x3FA7] =	sst s0  }
0x9: {  	[smem:$0x3FA8] =	sst s1  }
0xa: {  	[smem:$0x3FA9] =	sst s2  }
0xb: {  	[smem:$0x3FAA] =	sst s3  }
0xc: {  	[smem:$0x3FAB] =	sst s4  }
0xd: {  	[smem:$0x3FAC] =	sst s5  }
0xe: {  	[smem:$0x3FAD] =	sst s6  }
0xf: {  	[smem:$0x3FAE] =	sst s7  }
0x10: {  	[smem:$0x3FAF] =	sst s8  }
0x11: {  	[smem:$0x3FB0] =	sst s9;
	s0 =	simm.s32 @!p0 $0x0  }
0x12: {  	s1 =	sld [smem:$0x3F96];
	s0 =	simm.s32 @p0 $0x1  }
0x13: {  	[smem:$0x3FB1] =	sst s0;
	s0 =	simm.s32 @!p1 $0x0  }
0x14: {  	s2 =	sld [smem:$0x3F95];
	s0 =	simm.s32 @p1 $0x1  }
0x15: {  	[smem:$0x3FB2] =	sst s0;
	s0 =	simm.s32 @!p2 $0x0  }
0x16: {  	s3 =	sld [smem:$0x3FDB];
	s0 =	simm.s32 @p2 $0x1  }
0x17: {  	s4 =	simm.s32 $0x1BF5;
	[smem:$0x3FB4] =	sst s0  }
0x18: {  	s0 =	sld [smem:$0x3F97];
	_ =	swait.ge [sflag:s4], $0x0  }
0x19: {  	s7 =	sld [smem:$0x3F98]  }
0x1a: {  	s8 =	sadd.s32 $0xFFFFE003, lr  }
0x1b: {  	s9 =	sadd.s32 $0xFFFFFEF7, lr;
	s5 =	simm.s32 $0xFFFFFFFF;
	p2 =	slt.u32 s8, $0xFFFFF086  }
0x1c: {  	p1 =	slt.u32 s9, $0xF7A;
	s5 =	simm.s32 @!p2 $0x0  }
0x1d: {  	s5 =	simm.s32 @p1 $0x1;
	p0 =	seq.s32 s7, s2  }
0x1e: {  	s7 =	smul.u32 @!p0 $0xF7A, s2;
	p2 =	seq.s32 @!p0 s5, $0x0  }
0x1f: {  	s9 =	smul.u32 $0xF7A, s1;
	s8 =	simm.s32 @!p0 $0x1BF5;
	p2 =	por !p2, p0  }
0x20: {  	[sflag:s8] =	ssyncset.s32 @!p0 $0xFFFFF086;
	s6 =	sadd.s32 @!p0 s3, s7;
	s7 =	simm.s32 @!p0 $0x108  }
0x21: {  	s3 =	sadd.s32 s3, s9;
	s6 =	sadd.s32 @!p0 $0x88, s6;
	s7 =	simm.s32 @p2 $0x1082  }
0x22: {  	[simem:s7], [sflag:s8] =	dma.local @!p0 [hbm:s6], $0xF7A  }
0x23: {  	s9 =	sor.u32 $0xD0000000, s2;
	s6 =	simm.s32 $0x108;
	_ =	swait.ge @!p0 [sflag:s8], $0x0  }
0x24: {  	s3 =	sadd.s32 $0x88, s3;
	s6 =	simm.s32 @!p1 $0x1082;
	[sflag:s4] =	ssyncset.s32 $0xFFFFF086  }
0x25: {  	[simem:s6], [sflag:s4] =	dma.local [hbm:s3], $0xF7A  }
0x26: {  	[smem:$0x3F98] =	sst s1;
	(tag) =	ssettag s2;
	_ =	strace s9  }
0x27: {  	s1 =	sld [smem:$0x3FA8]  }
0x28: {  	s2 =	sld [smem:$0x3FA9]  }
0x29: {  	s4 =	sld [smem:$0x3FAB]  }
0x2a: {  	p0 =	seq.s32 s5, $0x0;
	s5 =	sld [smem:$0x3FAC]  }
0x2b: {  	s6 =	sld [smem:$0x3FAD]  }
0x2c: {  	s7 =	sld [smem:$0x3FAE]  }
0x2d: {  	s3 =	simm.s32 $0x108;
	s8 =	sld [smem:$0x3FAF]  }
0x2e: {  	s3 =	simm.s32 @!p0 $0x1082;
	s9 =	sld [smem:$0x3FB0]  }
0x2f: {  	lr =	sadd.s32 s0, s3;
	s0 =	sld [smem:$0x3FA7]  }
0x30: {  	s3 =	sld [smem:$0x3FAA]  }
0x31: {  	[smem:$0x3FB3] =	sst s10  }
0x32: {  	s10 =	sld [smem:$0x3FB1];
	_ =	sdelay $0x3  }
0x33: {  	p0 =	seq.s32 s10, $0x1;
	s10 =	sld [smem:$0x3FB3];
	_ =	sdelay $0x3  }
0x34: {  	[smem:$0x3FB3] =	sst s10  }
0x35: {  	s10 =	sld [smem:$0x3FB2];
	_ =	sdelay $0x3  }
0x36: {  	p1 =	seq.s32 s10, $0x1;
	s10 =	sld [smem:$0x3FB3];
	_ =	sdelay $0x3  }
0x37: {  	[smem:$0x3FB3] =	sst s10  }
0x38: {  	s10 =	sld [smem:$0x3FB4]  }
0x39: {  	_ = 	snop;
	(pc) =	sbr.ind lr, $3  }
0x3a: {  	_ = 	snop  }
0x3b: {  	_ = 	snop  }
0x3c: {  	p2 =	seq.s32 s10, $0x1;
	s10 =	sld [smem:$0x3FB3]  }
0x3d: {  	_ =	shalt  }
0x3e: {  	_ =	shalt  }
0x3f: {  	_ =	shalt  }
0x40: {  	_ =	shalt  }
0x41: {  	_ =	shalt  }
0x42: {  	_ =	shalt  }
0x43: {  	_ =	shalt  }
0x44: {  	_ =	shalt  }
0x45: {  	_ =	shalt  }
0x46: {  	_ =	shalt  }
0x47: {  	_ =	shalt  }
0x48: {  	_ =	shalt  }
0x49: {  	_ =	shalt  }
0x4a: {  	_ =	shalt  }
0x4b: {  	_ =	shalt  }
0x4c: {  	_ =	shalt  }
0x4d: {  	_ =	shalt  }
0x4e: {  	_ =	shalt  }
0x4f: {  	_ =	shalt  }
0x50: {  	_ =	shalt  }
0x51: {  	_ =	shalt  }
0x52: {  	_ =	shalt  }
0x53: {  	_ =	shalt  }
0x54: {  	_ =	shalt  }
0x55: {  	_ =	shalt  }
0x56: {  	_ =	shalt  }
0x57: {  	_ =	shalt  }
0x58: {  	_ =	shalt  }
0x59: {  	_ =	shalt  }
0x5a: {  	_ =	shalt  }
0x5b: {  	_ =	shalt  }
0x5c: {  	_ =	shalt  }
0x5d: {  	_ =	shalt  }
0x5e: {  	_ =	shalt  }
0x5f: {  	_ =	shalt  }
0x60: {  	_ =	shalt  }
0x61: {  	_ =	shalt  }
0x62: {  	_ =	shalt  }
0x63: {  	_ =	shalt  }
0x64: {  	_ =	shalt  }
0x65: {  	_ =	shalt  }
0x66: {  	_ =	shalt  }
0x67: {  	_ =	shalt  }
0x68: {  	_ =	shalt  }
0x69: {  	_ =	shalt  }
0x6a: {  	_ =	shalt  }
0x6b: {  	_ =	shalt  }
0x6c: {  	_ =	shalt  }
0x6d: {  	_ =	shalt  }
0x6e: {  	_ =	shalt  }
0x6f: {  	_ =	shalt  }
0x70: {  	_ =	shalt  }
0x71: {  	_ =	shalt  }
0x72: {  	_ =	shalt  }
0x73: {  	_ =	shalt  }
0x74: {  	_ =	shalt  }
0x75: {  	_ =	shalt  }
0x76: {  	_ =	shalt  }
0x77: {  	_ =	shalt  }
0x78: {  	_ =	shalt  }
0x79: {  	_ =	shalt  }
0x7a: {  	_ =	shalt  }
0x7b: {  	_ =	shalt  }
0x7c: {  	_ =	shalt  }
0x7d: {  	_ =	shalt  }
0x7e: {  	_ =	shalt  }
0x7f: {  	_ =	shalt  }
0x80: {  	_ =	shalt  }
0x81: {  	_ =	shalt  }
0x82: {  	_ =	shalt  }
0x83: {  	_ =	shalt  }
0x84: {  	_ =	shalt  }
0x85: {  	_ =	shalt  }
0x86: {  	_ =	shalt  }
0x87: {  	_ =	shalt  }
.Lfunc_end0:
.L_simem_size_0:
called_computation.1_lowered:
.L_overlay_start_0:
0x88: {  	s2 =	sld [smem:$0x3FD9]  }
0x89: {  	s3 =	sld [smem:$0x3FFE];
	_ =	sdelay $0x1  }
0x8a: {  	s1 =	srdreg.scid  }
0x8b: {  	s0 =	sand.u32 $0x1, s1  }
0x8c: {  	s16 =	sshll.u32 s0, $0xA;
	s2 =	sadd.s32 s3, s2  }
0x8d: {  	s2 =	sadd.s32 s2, s16  }
0x8e: {  	[smem:$0x3FBF] =	sst s2  }
0x8f: {  	_ = 	snop  }
0x90: {  	(tm) =	ssettm $0x1  }
0x91: {  	s17 =	sld [smem:$0x3FFB];
	_ =	sdelay $0x3  }
0x92: {  	_ =	strace s17  }
0x93: {  	s2 =	sld [smem:$0x3FFC];
	_ =	sdelay $0x3  }
0x94: {  	_ =	strace s2  }
0x95: {  	s2 =	sld [smem:$0x3FFD];
	_ =	sdelay $0x3  }
0x96: {  	_ =	strace s2  }
0x97: {  	_ =	strace $0x8FFFFFFF  }
0x98: {  	s18 =	sld [smem:$0x3FDB];
	_ =	sdelay $0x1  }
0x99: {  	s19 =	simm.s32 $_scs_section_size  }
0x9a: {  	s4 =	simm.s32 $_size__tile_overlayer_lowered;
	s5 =	simm.s32 $_tile_overlayer_lowered  }
0x9b: {  	s22 =	simm.s32 $0x1BFF;
	s21 =	sshll.u32 s5, $0x1;
	s2 =	sadd.s32 s19, s18  }
0x9c: {  	s6 =	simm.s32 $0x0;
	s20 =	sshll.u32 s4, $0x1;
	s4 =	sadd.s32 s21, s2  }
0x9d: {  	[timem:s6], [sflag:s22] =	dma.local [hbm:s4], s20  }
0x9e: {  	_ =	swait.ge [sflag:s22], s20  }
0x9f: {  	s3 =	ssub.s32 $0x0, s20;
	[sflag:s22] =	ssyncset.done $0x0  }
0xa0: {  	[sflag:s22] =	ssyncadd.s32 s3;
	_ =	sdelay $0x1  }
0xa1: {  	s23 =	simm.s32 $0x1B8B  }
0xa2: {  	_ =	swait.ge [sflag:s23], $0x1  }
0xa3: {  	[sflag:s23] =	ssyncset.done $0x0  }
0xa4: {  	s25 =	simm.s32 $0x1B8E;
	s24 =	sld [smem:$0x3FFE];
	[sflag:s23] =	ssyncadd.s32 $0xFFFFFFFF  }
0xa5: {  	s26 =	simm.s32 $execute0_lowered;
	[smem:$0x3FD2] =	sst s25  }
0xa6: {  	s4 =	sshll.u32 s26, $0x1;
	_ =	strace $0x80000049;
	[dreg:$0x1] =	wrdreg $0xFFFFFFFF  }
0xa7: {  	s28 =	simm.s32 $_size_execute0_lowered;
	s2 =	sadd.s32 s2, s4;
	[dreg:$0x0] =	wrdreg $0x0  }
0xa8: {  	s4 =	sshll.u32 s28, $0x1;
	[dreg:$0x2] =	wrdreg s2  }
0xa9: {  	[dreg:$0x3] =	wrdreg s4  }
0xaa: {  	[dreg:$0x4] =	wrdreg $0xC0  }
0xab: {  	_ =	task [dreg:s6], $0x5FFFF  }
0xac: {  	[dreg:$0x1] =	wrdreg $0xFFFFFFFF  }
0xad: {  	[dreg:$0x0] =	wrdreg $0x60  }
0xae: {  	[dreg:$0x2] =	wrdreg s24  }
0xaf: {  	[dreg:$0x3] =	wrdreg $0x0  }
0xb0: {  	[dreg:$0x4] =	wrdreg $0x9  }
0xb1: {  	_ =	task.clear_ibuf [dreg:s6], $0x5FFFF;
	_ =	strace $0x90000049  }
0xb2: {  	s29 =	simm.s32 $0x9;
	_ =	strace $0x8000004B  }
0xb3: {  	_ =	swait.ge [sflag:s29], $0x1  }
0xb4: {  	[sflag:s29] =	ssyncadd.s32 $0xFFFFFFFF  }
0xb5: {  	_ =	strace $0x9000004B  }
0xb6: {  	_ =	sfence  }
0xb7: {  	s30 =	sld [smem:$0x0];
	_ =	sdelay $0x2  }
0xb8: {  	s31 =	sshll.u32 s1, $0xD;
	s1 =	sshrl.u32 s1, $0x2  }
0xb9: {  	s3 =	sand.u32 $0x4000, s31;
	s1 =	sadd.s32 s1, s30  }
0xba: {  	s0 =	sor.u32 s3, s0;
	s1 =	sshll.u32 s1, $0x11  }
0xbb: {  	s0 =	sor.u32 s1, s0  }
0xbc: {  	s0 =	sadd.s32 $0x8F2B, s0  }
0xbd: {  	[sflag:s0] =	ssyncadd.remote.s32 $0x1  }
0xbe: {  	_ =	sfence.sel $0xFFFF  }
0xbf: {  	[dreg:$0x0] =	wrdreg $0xFFFFFFFF;
	(pc) =	sbr.abs _section_cstart, $3  }
0xc0: {  	[dreg:$0x1] =	wrdreg $0xFFFFFFFF  }
0xc1: {  	_ =	task.clear_ibuf [dreg:s6], $0x2FFFF;
	_ =	strace $0x9FFFFFFF  }
0xc2: {  	(tm) =	ssettm $0x7FFFFFFF  }
0xc3: {  	_ =	shalt  }
tec
execute0_lowered:
.L_overlay_start_1:
0x0: {  	(tag) =	ssettag $0x1  }
0x1: {  	s0 =	rddreg [dreg:$0x0]  }
0x2: {  	s1 =	rddreg [dreg:$0x1]  }
0x3: {  	s2 =	simm.s32 $0x0;
	s6 =	srdreg.scid;
	s3 =	stileid.u32  }
0x4: {  	s20 =	simm.s32 $0x13880;
	s21 =	simm.s32 $0x13900;
	s22 =	simm.s32 $0x80  }
0x5: {  	s23 =	simm.s32 $0x13980;
	s28 =	simm.s32 $0x10;
	s29 =	simm.s32 $0x17A80  }
0x6: {  	s30 =	simm.s32 $0x0;
	[smem:$0x7FF] =	sst s2;
	s4 =	sadd.s32 $0x63C00, s0  }
0x7: {  	s5 =	sadd.s32 $0x8AE00, s0;
	s6 =	sand.u32 $0x1, s6;
	s7 =	smul.u32 $0x4E000, s3  }
0x8: {  	s15 =	sadd.s32 $0x1E00, s0;
	s14 =	sadd.s32 $0xBC00, s0;
	s10 =	smul.u32 $0x2710, s3  }
0x9: {  	s0 =	sadd.s32 $0xB2000, s0;
	s12 =	smul.u32 $0x2700, s3;
	p1 =	sne.s32 s3, $0xF  }
0xa: {  	p2 =	seq.s32 s3, $0xF;
	_ =	strace $0x8000004A;
	s11 =	smul.u32 $0x27100, s6  }
0xb: {  	s8 =	ssub.s32 $0x2, s6;
	p0 =	seq.s32 s6, $0x1;
	s25 =	smul.u32 $0x138800, s6  }
0xc: {  	s9 =	sshrl.u32 s8, $0x1;
	s7 =	sshrl.u32 s7, $0x2;
	s26 =	sadd.s32 s4, s12  }
0xd: {  	s13 =	ssub.s32 s8, s9;
	s24 =	sadd.s32 s10, s11;
	s18 =	sadd.s32 s7, s1  }
0xe: {  	[dreg:$0x3] =	wrdreg s26;
	s7 =	sadd.s32 $0x138000, s1;
	s8 =	smov.u32 s5  }
0xf: {  	s5 =	sadd.s32 s5, s12;
	s19 =	sshrl.u32 s25, $0x3;
	s11 =	sadd.s32 s12, s11  }
0x10: {  	s25 =	simm.s32 $0x17980;
	s26 =	simm.s32 $0x17A00;
	s16 =	sshrl.u32 s24, $0x3  }
0x11: {  	[dreg:$0x4] =	wrdreg s5;
	s31 =	sadd.s32 s0, s19;
	s11 =	sadd.s32 s0, s11  }
0x12: {  	s13 =	smax.u32 s13, $0x1;
	s18 =	sshrl.u32 s18, $0x3;
	s17 =	sadd.s32 $0x4E0, s16  }
0x13: {  	s19 =	simm.s32 $0x2;
	s9 =	sadd.s32 s15, s17;
	s10 =	sadd.s32 s14, s17  }
0x14: {  	s14 =	sadd.s32 s16, s14;
	s15 =	sadd.s32 s16, s15;
	s16 =	sshll.u32 s3, $0x6  }
0x15: {  	s24 =	simm.s32 $0x1;
	s12 =	sadd.s32 $0x27000, s31;
	s17 =	sor.u32 $0x1C02, s16  }
.LBB2_1:
.Ltmp0:
0x16: {  	(pc) =	sbr.rel @!p0 .LBB2_2-.Ltmp0, $1  }
0x17: {  	_ =	sdelay $0x3  }
0x18: {  	s0 =	rddreg [dreg:$0x4]  }
0x19: {  	[spmem:s18], [sflag:s17] =	dma.local [hbm:s0], $0x2700  }
.Ltmp1:
0x1a: {  	_ = 	snop;
	(pc) =	sbr.rel @p1 .LBB2_5-.Ltmp1, $4  }
.Ltmp2:
0x1b: {  	_ = 	snop;
	(pc) =	sbr.rel @!p1 .LBB2_4-.Ltmp2, $4  }
0x1c: {  	_ =	swait.ge [sflag:s19], $0x2700  }
0x1d: {  	[sflag:s19] =	ssyncset.done $0x0  }
0x1e: {  	s31 =	smov.u32 s17;
	s0 =	smov.u32 s8;
	[sflag:s19] =	ssyncadd.s32 $0xFFFFD900  }
0x1f: {  	_ = 	snop  }
.LBB2_2:
.Ltmp3:
0x20: {  	s31 =	sor.u32 $0x1C02, s16;
	s0 =	rddreg [dreg:$0x3];
	(pc) =	sbr.rel @!p2 .LBB2_5-.Ltmp3, $4  }
0x21: {  	[spmem:s18], [sflag:s31] =	dma.local [hbm:s0], $0x2700  }
0x22: {  	_ =	swait.ge [sflag:s19], $0x2700  }
0x23: {  	[sflag:s19] =	ssyncset.done $0x0  }
0x24: {  	s0 =	smov.u32 s4;
	[sflag:s19] =	ssyncadd.s32 $0xFFFFD900  }
.LBB2_4:
0x25: {  	s0 =	sadd.s32 $0x27000, s0;
	s3 =	sshrl.u32 s7, $0x3  }
0x26: {  	[spmem:s3], [sflag:s31] =	dma.local [hbm:s0], $0x100  }
0x27: {  	_ =	swait.ge [sflag:s19], $0x100  }
0x28: {  	[sflag:s19] =	ssyncset.done $0x0  }
0x29: {  	[sflag:s19] =	ssyncadd.s32 $0xFFFFFF00  }
.LBB2_5:
0x2a: {  	[bflag:$0x0] =	sbarrier.arrive $0xFFFF;
	s0 =	sadd.s32 $0x0, s15  }
0x2b: {  	[tilespmem:s20], [sflag:$0x2] =	stream.linear.gather [hbm4b:s0+s2], $0x80, $0x38;
	[tilespmem:$0x18280] =	vst v63  }
0x2c: {  	_ =	swait.ge [sflag:s19], $0x80  }
0x2d: {  	[sflag:s19] =	ssyncset.done $0x0  }
0x2e: {  	s6 =	sadd.s32 $0x0, s14;
	[sflag:s19] =	ssyncadd.s32 $0xFFFFFF80  }
0x2f: {  	[tilespmem:s21], [sflag:$0x2] =	stream.linear.gather [hbm4b:s6+s2], $0x80, $0x38;
	[tilespmem:$0x18280] =	vst v63  }
0x30: {  	_ =	swait.ge [sflag:s19], $0x80  }
0x31: {  	[sflag:s19] =	ssyncset.done $0x0  }
0x32: {  	[sflag:s19] =	ssyncadd.s32 $0xFFFFFF80  }
0x33: {  	[tilespmem:s23], [sflag:$0x1] =	stream.indirect.gather [hbm4b:s4+s22], $0x80, s20, s22, $0xb8;
	[tilespmem:$0x18280] =	vst v63  }
0x34: {  	_ =	swait.ge [sflag:s24], $0x4000  }
0x35: {  	[sflag:s24] =	ssyncset.done $0x0  }
0x36: {  	[sflag:s24] =	ssyncadd.s32 $0xFFFFC000  }
0x37: {  	[spmem:s1] =	stream.indirect.scatter.add.f32 [tilespmem:s23], [sflag:$0x2], $0x80, s21, s22, $0xb8;
	[tilespmem:$0x18280] =	vst v63  }
0x38: {  	_ =	swait.ge [sflag:s19], $0x4000  }
0x39: {  	s31 =	simm.s32 $0x10;
	s0 =	simm.s32 $0x20;
	[sflag:s19] =	ssyncset.done $0x0  }
.LBB2_6:
0x3a: {  	s3 =	sadd.s32 s31, s15  }
0x3b: {  	[sflag:s19] =	ssyncadd.s32 $0xFFFFC000;
	s5 =	smov.u32 s0;
	s6 =	sadd.s32 $0x10, s0  }
0x3c: {  	[tilespmem:s20], [sflag:$0x2] =	stream.linear.gather [hbm4b:s3+s2], $0x80, $0x38;
	[tilespmem:$0x18280] =	vst v63  }
0x3d: {  	p3 =	sne.s32 s0, $0x4D0;
	_ =	swait.ge [sflag:s19], $0x80  }
0x3e: {  	[sflag:s19] =	ssyncset.done $0x0  }
0x3f: {  	s0 =	sadd.s32 s31, s14;
	s31 =	smov.u32 s5;
	[sflag:s19] =	ssyncadd.s32 $0xFFFFFF80  }
0x40: {  	[tilespmem:s21], [sflag:$0x2] =	stream.linear.gather [hbm4b:s0+s2], $0x80, $0x38;
	[tilespmem:$0x18280] =	vst v63  }
0x41: {  	_ =	swait.ge [sflag:s19], $0x80  }
0x42: {  	[sflag:s19] =	ssyncset.done $0x0  }
0x43: {  	[sflag:s19] =	ssyncadd.s32 $0xFFFFFF80  }
0x44: {  	[tilespmem:s23], [sflag:$0x1] =	stream.indirect.gather [hbm4b:s4+s22], $0x80, s20, s22, $0xb8;
	[tilespmem:$0x18280] =	vst v63  }
0x45: {  	_ =	swait.ge [sflag:s24], $0x4000  }
.Ltmp4:
0x46: {  	[sflag:s24] =	ssyncset.done $0x0;
	(pc) =	sbr.rel @p3 .LBB2_6-.Ltmp4, $4  }
0x47: {  	[sflag:s24] =	ssyncadd.s32 $0xFFFFC000  }
0x48: {  	[spmem:s1] =	stream.indirect.scatter.add.f32 [tilespmem:s23], [sflag:$0x2], $0x80, s21, s22, $0xb8;
	[tilespmem:$0x18280] =	vst v63  }
0x49: {  	_ =	swait.ge [sflag:s19], $0x4000  }
0x4a: {  	s0 =	smov.u32 s6;
	[sflag:s19] =	ssyncset.done $0x0  }
0x4b: {  	s0 =	sadd.s32 s31, s15;
	[sflag:s19] =	ssyncadd.s32 $0xFFFFC000  }
0x4c: {  	[tilespmem:s20], [sflag:$0x2] =	stream.linear.gather [hbm4b:s0+s2], $0x80, $0x38;
	[tilespmem:$0x18280] =	vst v63  }
0x4d: {  	_ =	swait.ge [sflag:s19], $0x80  }
0x4e: {  	[sflag:s19] =	ssyncset.done $0x0  }
0x4f: {  	s31 =	sadd.s32 s31, s14;
	[sflag:s19] =	ssyncadd.s32 $0xFFFFFF80  }
0x50: {  	[tilespmem:s21], [sflag:$0x2] =	stream.linear.gather [hbm4b:s31+s2], $0x80, $0x38;
	[tilespmem:$0x18280] =	vst v63  }
0x51: {  	_ =	swait.ge [sflag:s19], $0x80  }
0x52: {  	[sflag:s19] =	ssyncset.done $0x0  }
0x53: {  	[sflag:s19] =	ssyncadd.s32 $0xFFFFFF80  }
0x54: {  	[tilespmem:s23], [sflag:$0x1] =	stream.indirect.gather [hbm4b:s4+s22], $0x80, s20, s22, $0xb8;
	[tilespmem:$0x18280] =	vst v63  }
0x55: {  	_ =	swait.ge [sflag:s24], $0x4000  }
0x56: {  	[sflag:s24] =	ssyncset.done $0x0  }
0x57: {  	[sflag:s24] =	ssyncadd.s32 $0xFFFFC000  }
0x58: {  	[spmem:s1] =	stream.indirect.scatter.add.f32 [tilespmem:s23], [sflag:$0x2], $0x80, s21, s22, $0xb8;
	[tilespmem:$0x18280] =	vst v63  }
0x59: {  	_ =	swait.ge [sflag:s19], $0x4000  }
0x5a: {  	[sflag:s19] =	ssyncset.done $0x0  }
0x5b: {  	[sflag:s19] =	ssyncadd.s32 $0xFFFFC000  }
0x5c: {  	[tilespmem:s25], [sflag:$0x2] =	stream.linear.gather [hbm4b:s9+s2], $0x10, $0x38;
	[tilespmem:$0x18280] =	vst v63  }
0x5d: {  	_ =	swait.ge [sflag:s19], $0x10  }
0x5e: {  	[sflag:s19] =	ssyncset.done $0x0  }
0x5f: {  	[sflag:s19] =	ssyncadd.s32 $0xFFFFFFF0  }
0x60: {  	[tilespmem:s26], [sflag:$0x2] =	stream.linear.gather [hbm4b:s10+s2], $0x10, $0x38;
	[tilespmem:$0x18280] =	vst v63  }
0x61: {  	_ =	swait.ge [sflag:s19], $0x10  }
0x62: {  	[sflag:s19] =	ssyncset.done $0x0  }
0x63: {  	[sflag:s19] =	ssyncadd.s32 $0xFFFFFFF0  }
0x64: {  	[tilespmem:s29], [sflag:$0x1] =	stream.indirect.gather [hbm4b:s4+s28], $0x80, s25, s28, $0xb8;
	[tilespmem:$0x18280] =	vst v63  }
0x65: {  	_ =	swait.ge [sflag:s24], $0x800  }
0x66: {  	[sflag:s24] =	ssyncset.done $0x0  }
0x67: {  	[sflag:s24] =	ssyncadd.s32 $0xFFFFF800  }
0x68: {  	[spmem:s1] =	stream.indirect.scatter.add.f32 [tilespmem:s29], [sflag:$0x2], $0x80, s26, s28, $0xb8;
	[tilespmem:$0x18280] =	vst v63  }
0x69: {  	_ =	swait.ge [sflag:s19], $0x800  }
0x6a: {  	[sflag:s19] =	ssyncset.done $0x0  }
0x6b: {  	[sflag:s19] =	ssyncadd.s32 $0xFFFFF800  }
0x6c: {  	s0 =	sor.u32 $0x1C02, s16;
	[bflag:$0x0] =	sbarrier.arrive $0xFFFF  }
0x6d: {  	[hbm:s11], [sflag:s0] =	dma.local [spmem:s18], $0x2700  }
0x6e: {  	_ =	swait.ge [sflag:s19], $0x2700  }
0x6f: {  	s30 =	sadd.s32 $0x1, s30;
	[sflag:s19] =	ssyncset.done $0x0  }
0x70: {  	s3 =	sshrl.u32 @!p1 s7, $0x3;
	p3 =	sne.s32 s30, s13;
	[sflag:s19] =	ssyncadd.s32 $0xFFFFD900  }
0x71: {  	[hbm:s12], [sflag:s0] =	dma.local @!p1 [spmem:s3], $0x100  }
.Ltmp5:
0x72: {  	_ = 	snop;
	(pc) =	sbr.rel @p3 .LBB2_1-.Ltmp5, $4  }
0x73: {  	s0 =	simm.s32 @!p1 $0x2  }
0x74: {  	_ =	swait.ge @!p1 [sflag:s0], $0x100  }
0x75: {  	[sflag:s0] =	ssyncset.done @!p1 $0x0  }
0x76: {  	[sflag:s0] =	ssyncadd.s32 @!p1 $0xFFFFFF00  }
0x77: {  	_ =	sfence.sel $0x180000  }
0x78: {  	[bflag:$0x0] =	sbarrier.arrive $0xFFFF  }
0x79: {  	_ =	strace $0x9000004A  }
0x7a: {  	s0 =	stileid.u32;
	[bflag:$0x2] =	sbarrier.arrive $0xFFFF  }
0x7b: {  	p0 =	sne.s32 s0, $0x0;
	s0 =	rddreg [dreg:$0x2]  }
0x7c: {  	s0 =	sadd.s32 @!p0 $0x100000, s0  }
0x7d: {  	[sflag:s0] =	ssyncadd.tile.s32 @!p0 $0x1;
	_ =	shalt  }
.Lfunc_end2:
_tile_overlayer_lowered:
.L_overlay_start_2:
0x7e: {  	(tag) =	ssettag $0x2  }
0x7f: {  	s0 =	rddreg [dreg:$0x0];
	s2 =	stileid.u32  }
0x80: {  	s1 =	rddreg [dreg:$0x1];
	p0 =	sne.s32 s2, $0x0  }
0x81: {  	s3 =	rddreg [dreg:$0x2];
	[bflag:$0x3] =	sbarrier.arrive $0xFFFF;
	s2 =	simm.s32 @!p0 $0x1C02  }
0x82: {  	[timem:s3], [sflag:s2] =	dma.local @!p0 [hbm:s0], s1  }
0x83: {  	s0 =	simm.s32 @!p0 $0x2  }
0x84: {  	_ =	swait.ge @!p0 [sflag:s0], s1  }
0x85: {  	s1 =	ssub.s32 @!p0 $0x0, s1;
	[sflag:s0] =	ssyncset.done @!p0 $0x0  }
0x86: {  	[sflag:s0] =	ssyncadd.s32 @!p0 s1  }
0x87: {  	[bflag:$0x3] =	sbarrier.arrive $0xFFFF  }
0x88: {  	_ =	shalt  }

// kernel: kernel.15.cloned.1.call-start
scs
__scs_entry_jumppad:
0x0: {  	(pc) =	sbr.rel $0x88, $3  }
0x1: {  	(tag) =	ssettag $0x0;
	lr =	simm.s32 $0x1  }
0x2: {  	[smem:$0x3F98] =	sst lr;
	_ =	strace $0xD0000000  }
0x3: {  	_ = 	snop  }
0x4: {  	_ = 	snop  }
0x5: {  	_ = 	snop  }
0x6: {  	_ = 	snop  }
0x7: {  	_ = 	snop  }
__scs_overlays_trampoline_lowered:
0x8: {  	[smem:$0x3FA7] =	sst s0  }
0x9: {  	[smem:$0x3FA8] =	sst s1  }
0xa: {  	[smem:$0x3FA9] =	sst s2  }
0xb: {  	[smem:$0x3FAA] =	sst s3  }
0xc: {  	[smem:$0x3FAB] =	sst s4  }
0xd: {  	[smem:$0x3FAC] =	sst s5  }
0xe: {  	[smem:$0x3FAD] =	sst s6  }
0xf: {  	[smem:$0x3FAE] =	sst s7  }
0x10: {  	[smem:$0x3FAF] =	sst s8  }
0x11: {  	[smem:$0x3FB0] =	sst s9;
	s0 =	simm.s32 @!p0 $0x0  }
0x12: {  	s1 =	sld [smem:$0x3F96];
	s0 =	simm.s32 @p0 $0x1  }
0x13: {  	[smem:$0x3FB1] =	sst s0;
	s0 =	simm.s32 @!p1 $0x0  }
0x14: {  	s2 =	sld [smem:$0x3F95];
	s0 =	simm.s32 @p1 $0x1  }
0x15: {  	[smem:$0x3FB2] =	sst s0;
	s0 =	simm.s32 @!p2 $0x0  }
0x16: {  	s3 =	sld [smem:$0x3FDB];
	s0 =	simm.s32 @p2 $0x1  }
0x17: {  	s4 =	simm.s32 $0x1BF5;
	[smem:$0x3FB4] =	sst s0  }
0x18: {  	s0 =	sld [smem:$0x3F97];
	_ =	swait.ge [sflag:s4], $0x0  }
0x19: {  	s7 =	sld [smem:$0x3F98]  }
0x1a: {  	s8 =	sadd.s32 $0xFFFFE003, lr  }
0x1b: {  	s9 =	sadd.s32 $0xFFFFFEF7, lr;
	s5 =	simm.s32 $0xFFFFFFFF;
	p2 =	slt.u32 s8, $0xFFFFF086  }
0x1c: {  	p1 =	slt.u32 s9, $0xF7A;
	s5 =	simm.s32 @!p2 $0x0  }
0x1d: {  	s5 =	simm.s32 @p1 $0x1;
	p0 =	seq.s32 s7, s2  }
0x1e: {  	s7 =	smul.u32 @!p0 $0xF7A, s2;
	p2 =	seq.s32 @!p0 s5, $0x0  }
0x1f: {  	s9 =	smul.u32 $0xF7A, s1;
	s8 =	simm.s32 @!p0 $0x1BF5;
	p2 =	por !p2, p0  }
0x20: {  	[sflag:s8] =	ssyncset.s32 @!p0 $0xFFFFF086;
	s6 =	sadd.s32 @!p0 s3, s7;
	s7 =	simm.s32 @!p0 $0x108  }
0x21: {  	s3 =	sadd.s32 s3, s9;
	s6 =	sadd.s32 @!p0 $0x88, s6;
	s7 =	simm.s32 @p2 $0x1082  }
0x22: {  	[simem:s7], [sflag:s8] =	dma.local @!p0 [hbm:s6], $0xF7A  }
0x23: {  	s9 =	sor.u32 $0xD0000000, s2;
	s6 =	simm.s32 $0x108;
	_ =	swait.ge @!p0 [sflag:s8], $0x0  }
0x24: {  	s3 =	sadd.s32 $0x88, s3;
	s6 =	simm.s32 @!p1 $0x1082;
	[sflag:s4] =	ssyncset.s32 $0xFFFFF086  }
0x25: {  	[simem:s6], [sflag:s4] =	dma.local [hbm:s3], $0xF7A  }
0x26: {  	[smem:$0x3F98] =	sst s1;
	(tag) =	ssettag s2;
	_ =	strace s9  }
0x27: {  	s1 =	sld [smem:$0x3FA8]  }
0x28: {  	s2 =	sld [smem:$0x3FA9]  }
0x29: {  	s4 =	sld [smem:$0x3FAB]  }
0x2a: {  	p0 =	seq.s32 s5, $0x0;
	s5 =	sld [smem:$0x3FAC]  }
0x2b: {  	s6 =	sld [smem:$0x3FAD]  }
0x2c: {  	s7 =	sld [smem:$0x3FAE]  }
0x2d: {  	s3 =	simm.s32 $0x108;
	s8 =	sld [smem:$0x3FAF]  }
0x2e: {  	s3 =	simm.s32 @!p0 $0x1082;
	s9 =	sld [smem:$0x3FB0]  }
0x2f: {  	lr =	sadd.s32 s0, s3;
	s0 =	sld [smem:$0x3FA7]  }
0x30: {  	s3 =	sld [smem:$0x3FAA]  }
0x31: {  	[smem:$0x3FB3] =	sst s10  }
0x32: {  	s10 =	sld [smem:$0x3FB1];
	_ =	sdelay $0x3  }
0x33: {  	p0 =	seq.s32 s10, $0x1;
	s10 =	sld [smem:$0x3FB3];
	_ =	sdelay $0x3  }
0x34: {  	[smem:$0x3FB3] =	sst s10  }
0x35: {  	s10 =	sld [smem:$0x3FB2];
	_ =	sdelay $0x3  }
0x36: {  	p1 =	seq.s32 s10, $0x1;
	s10 =	sld [smem:$0x3FB3];
	_ =	sdelay $0x3  }
0x37: {  	[smem:$0x3FB3] =	sst s10  }
0x38: {  	s10 =	sld [smem:$0x3FB4]  }
0x39: {  	_ = 	snop;
	(pc) =	sbr.ind lr, $3  }
0x3a: {  	_ = 	snop  }
0x3b: {  	_ = 	snop  }
0x3c: {  	p2 =	seq.s32 s10, $0x1;
	s10 =	sld [smem:$0x3FB3]  }
0x3d: {  	_ =	shalt  }
0x3e: {  	_ =	shalt  }
0x3f: {  	_ =	shalt  }
0x40: {  	_ =	shalt  }
0x41: {  	_ =	shalt  }
0x42: {  	_ =	shalt  }
0x43: {  	_ =	shalt  }
0x44: {  	_ =	shalt  }
0x45: {  	_ =	shalt  }
0x46: {  	_ =	shalt  }
0x47: {  	_ =	shalt  }
0x48: {  	_ =	shalt  }
0x49: {  	_ =	shalt  }
0x4a: {  	_ =	shalt  }
0x4b: {  	_ =	shalt  }
0x4c: {  	_ =	shalt  }
0x4d: {  	_ =	shalt  }
0x4e: {  	_ =	shalt  }
0x4f: {  	_ =	shalt  }
0x50: {  	_ =	shalt  }
0x51: {  	_ =	shalt  }
0x52: {  	_ =	shalt  }
0x53: {  	_ =	shalt  }
0x54: {  	_ =	shalt  }
0x55: {  	_ =	shalt  }
0x56: {  	_ =	shalt  }
0x57: {  	_ =	shalt  }
0x58: {  	_ =	shalt  }
0x59: {  	_ =	shalt  }
0x5a: {  	_ =	shalt  }
0x5b: {  	_ =	shalt  }
0x5c: {  	_ =	shalt  }
0x5d: {  	_ =	shalt  }
0x5e: {  	_ =	shalt  }
0x5f: {  	_ =	shalt  }
0x60: {  	_ =	shalt  }
0x61: {  	_ =	shalt  }
0x62: {  	_ =	shalt  }
0x63: {  	_ =	shalt  }
0x64: {  	_ =	shalt  }
0x65: {  	_ =	shalt  }
0x66: {  	_ =	shalt  }
0x67: {  	_ =	shalt  }
0x68: {  	_ =	shalt  }
0x69: {  	_ =	shalt  }
0x6a: {  	_ =	shalt  }
0x6b: {  	_ =	shalt  }
0x6c: {  	_ =	shalt  }
0x6d: {  	_ =	shalt  }
0x6e: {  	_ =	shalt  }
0x6f: {  	_ =	shalt  }
0x70: {  	_ =	shalt  }
0x71: {  	_ =	shalt  }
0x72: {  	_ =	shalt  }
0x73: {  	_ =	shalt  }
0x74: {  	_ =	shalt  }
0x75: {  	_ =	shalt  }
0x76: {  	_ =	shalt  }
0x77: {  	_ =	shalt  }
0x78: {  	_ =	shalt  }
0x79: {  	_ =	shalt  }
0x7a: {  	_ =	shalt  }
0x7b: {  	_ =	shalt  }
0x7c: {  	_ =	shalt  }
0x7d: {  	_ =	shalt  }
0x7e: {  	_ =	shalt  }
0x7f: {  	_ =	shalt  }
0x80: {  	_ =	shalt  }
0x81: {  	_ =	shalt  }
0x82: {  	_ =	shalt  }
0x83: {  	_ =	shalt  }
0x84: {  	_ =	shalt  }
0x85: {  	_ =	shalt  }
0x86: {  	_ =	shalt  }
0x87: {  	_ =	shalt  }
.Lfunc_end0:
.L_simem_size_0:
called_computation.2_lowered:
.L_overlay_start_0:
0x88: {  	s2 =	sld [smem:$0x3FD9]  }
0x89: {  	s3 =	sld [smem:$0x3FFE];
	_ =	sdelay $0x1  }
0x8a: {  	s1 =	srdreg.scid  }
0x8b: {  	s0 =	sand.u32 $0x1, s1  }
0x8c: {  	s16 =	sshll.u32 s0, $0xA;
	s2 =	sadd.s32 s3, s2  }
0x8d: {  	s2 =	sadd.s32 s2, s16  }
0x8e: {  	[smem:$0x3FBF] =	sst s2  }
0x8f: {  	_ = 	snop  }
0x90: {  	(tm) =	ssettm $0x1  }
0x91: {  	s17 =	sld [smem:$0x3FFB];
	_ =	sdelay $0x3  }
0x92: {  	_ =	strace s17  }
0x93: {  	s2 =	sld [smem:$0x3FFC];
	_ =	sdelay $0x3  }
0x94: {  	_ =	strace s2  }
0x95: {  	s2 =	sld [smem:$0x3FFD];
	_ =	sdelay $0x3  }
0x96: {  	_ =	strace s2  }
0x97: {  	_ =	strace $0x8FFFFFFF  }
0x98: {  	s18 =	sld [smem:$0x3FDB];
	_ =	sdelay $0x1  }
0x99: {  	s19 =	simm.s32 $_scs_section_size  }
0x9a: {  	s4 =	simm.s32 $_size__tile_overlayer_lowered;
	s5 =	simm.s32 $_tile_overlayer_lowered  }
0x9b: {  	s22 =	simm.s32 $0x1BFF;
	s21 =	sshll.u32 s5, $0x1;
	s2 =	sadd.s32 s19, s18  }
0x9c: {  	s6 =	simm.s32 $0x0;
	s20 =	sshll.u32 s4, $0x1;
	s4 =	sadd.s32 s21, s2  }
0x9d: {  	[timem:s6], [sflag:s22] =	dma.local [hbm:s4], s20  }
0x9e: {  	_ =	swait.ge [sflag:s22], s20  }
0x9f: {  	s3 =	ssub.s32 $0x0, s20;
	[sflag:s22] =	ssyncset.done $0x0  }
0xa0: {  	[sflag:s22] =	ssyncadd.s32 s3;
	_ =	sdelay $0x1  }
0xa1: {  	s23 =	simm.s32 $0x1B8B  }
0xa2: {  	_ =	swait.ge [sflag:s23], $0x1  }
0xa3: {  	[sflag:s23] =	ssyncset.done $0x0  }
0xa4: {  	s25 =	simm.s32 $0x1B8E;
	s24 =	sld [smem:$0x3FFE];
	[sflag:s23] =	ssyncadd.s32 $0xFFFFFFFF  }
0xa5: {  	s26 =	simm.s32 $execute0_lowered;
	[smem:$0x3FD2] =	sst s25  }
0xa6: {  	s4 =	sshll.u32 s26, $0x1;
	_ =	strace $0x8000004C;
	[dreg:$0x1] =	wrdreg $0xFFFFFFFF  }
0xa7: {  	s28 =	simm.s32 $_size_execute0_lowered;
	s2 =	sadd.s32 s2, s4;
	[dreg:$0x0] =	wrdreg $0x0  }
0xa8: {  	s4 =	sshll.u32 s28, $0x1;
	[dreg:$0x2] =	wrdreg s2  }
0xa9: {  	[dreg:$0x3] =	wrdreg s4  }
0xaa: {  	[dreg:$0x4] =	wrdreg $0xC0  }
0xab: {  	_ =	task [dreg:s6], $0x5FFFF  }
0xac: {  	[dreg:$0x1] =	wrdreg $0xFFFFFFFF  }
0xad: {  	[dreg:$0x0] =	wrdreg $0x60  }
0xae: {  	[dreg:$0x2] =	wrdreg s24  }
0xaf: {  	[dreg:$0x3] =	wrdreg $0x0  }
0xb0: {  	[dreg:$0x4] =	wrdreg $0x9  }
0xb1: {  	_ =	task.clear_ibuf [dreg:s6], $0x5FFFF;
	_ =	strace $0x9000004C  }
0xb2: {  	s29 =	simm.s32 $0x9;
	_ =	strace $0x8000004E  }
0xb3: {  	_ =	swait.ge [sflag:s29], $0x1  }
0xb4: {  	[sflag:s29] =	ssyncadd.s32 $0xFFFFFFFF  }
0xb5: {  	_ =	strace $0x9000004E  }
0xb6: {  	_ =	sfence  }
0xb7: {  	s30 =	sld [smem:$0x0];
	_ =	sdelay $0x2  }
0xb8: {  	s31 =	sshll.u32 s1, $0xD;
	s1 =	sshrl.u32 s1, $0x2  }
0xb9: {  	s3 =	sand.u32 $0x4000, s31;
	s1 =	sadd.s32 s1, s30  }
0xba: {  	s0 =	sor.u32 s3, s0;
	s1 =	sshll.u32 s1, $0x11  }
0xbb: {  	s0 =	sor.u32 s1, s0  }
0xbc: {  	s0 =	sadd.s32 $0x8F2B, s0  }
0xbd: {  	[sflag:s0] =	ssyncadd.remote.s32 $0x1  }
0xbe: {  	_ =	sfence.sel $0xFFFF  }
0xbf: {  	[dreg:$0x0] =	wrdreg $0xFFFFFFFF;
	(pc) =	sbr.abs _section_cstart, $3  }
0xc0: {  	[dreg:$0x1] =	wrdreg $0xFFFFFFFF  }
0xc1: {  	_ =	task.clear_ibuf [dreg:s6], $0x2FFFF;
	_ =	strace $0x9FFFFFFF  }
0xc2: {  	(tm) =	ssettm $0x7FFFFFFF  }
0xc3: {  	_ =	shalt  }
tec
execute0_lowered:
.L_overlay_start_1:
0x0: {  	(tag) =	ssettag $0x1  }
0x1: {  	s0 =	rddreg [dreg:$0x0]  }
0x2: {  	s1 =	rddreg [dreg:$0x1]  }
0x3: {  	s2 =	simm.s32 $0x0;
	s3 =	srdreg.scid;
	s20 =	stileid.u32  }
0x4: {  	s28 =	simm.s32 $0x17A00;
	s29 =	simm.s32 $0x20;
	s30 =	simm.s32 $0x17A80  }
0x5: {  	s31 =	simm.s32 $0x0;
	[smem:$0x7FF] =	sst s2;
	s4 =	sadd.s32 $0x8AE00, s0  }
0x6: {  	s5 =	sadd.s32 $0x63C00, s0;
	s6 =	sadd.s32 $0x1E00, s0;
	s7 =	smul.u32 $0x4E000, s20  }
0x7: {  	s3 =	sand.u32 $0x1, s3;
	s16 =	sadd.s32 $0xBC00, s0;
	s14 =	smul.u32 $0x2700, s20  }
0x8: {  	s13 =	sadd.s32 $0xB2000, s0;
	s10 =	smul.u32 $0x4E20, s20;
	s21 =	sadd.s32 $0x8AC00, s0  }
0x9: {  	s0 =	sadd.s32 $0xB1E00, s0;
	s25 =	smul.u32 $0x9C4, s20;
	s26 =	sshll.u32 s20, $0x6  }
0xa: {  	p1 =	sne.s32 s20, $0xF;
	s20 =	simm.s32 $0x2;
	_ =	strace $0x8000004D  }
0xb: {  	s8 =	ssub.s32 $0x2, s3;
	[dreg:$0x4] =	wrdreg s21;
	s17 =	smul.u32 $0x138800, s3  }
0xc: {  	[dreg:$0x6] =	wrdreg s0;
	p0 =	sne.s32 s3, $0x0;
	s21 =	simm.s32 $0x13880  }
0xd: {  	s9 =	sshrl.u32 s8, $0x1;
	s7 =	sshrl.u32 s7, $0x2;
	s18 =	sadd.s32 s5, s14  }
0xe: {  	s22 =	sadd.s32 s4, s14;
	s11 =	sshrl.u32 s10, $0x3;
	s15 =	ssub.s32 s8, s9  }
0xf: {  	s19 =	sadd.s32 s7, s1;
	[dreg:$0x3] =	wrdreg s18;
	s7 =	sadd.s32 $0x138000, s1  }
0x10: {  	[dreg:$0x5] =	wrdreg s22;
	s23 =	sadd.s32 $0x9C0, s11;
	s18 =	smul.u32 $0x27100, s3  }
0x11: {  	s24 =	sshrl.u32 s17, $0x3;
	s17 =	sadd.s32 s25, s6;
	s22 =	simm.s32 $0x13900  }
.Ltmp0:
0x12: {  	s11 =	sadd.s32 s6, s23;
	s12 =	sadd.s32 s16, s23;
	(pc) =	sbr.rel .LBB2_1-.Ltmp0, $4  }
0x13: {  	s0 =	sadd.s32 s13, s24;
	s15 =	smax.u32 s15, $0x1;
	s16 =	sadd.s32 s25, s16  }
0x14: {  	s19 =	sshrl.u32 s19, $0x3;
	s23 =	simm.s32 $0x80;
	s24 =	simm.s32 $0x13980  }
0x15: {  	s25 =	simm.s32 $0x1;
	s14 =	sadd.s32 s14, s18;
	s18 =	sor.u32 $0x1C02, s26  }
0x16: {  	s26 =	simm.s32 $0x17980;
	s13 =	sadd.s32 s13, s14;
	s14 =	sadd.s32 $0x27000, s0  }
.LBB2_7:
0x17: {  	s6 =	sadd.s32 s3, s17;
	[sflag:s20] =	ssyncadd.s32 $0xFFFFC000  }
0x18: {  	[tilespmem:s21], [sflag:$0x2] =	stream.linear.gather [hbm4b:s6+s2], $0x80, $0x38;
	[tilespmem:$0x18A80] =	vst v63  }
0x19: {  	_ =	swait.ge [sflag:s20], $0x80  }
0x1a: {  	[sflag:s20] =	ssyncset.done $0x0  }
0x1b: {  	s10 =	sadd.s32 s3, s16;
	[sflag:s20] =	ssyncadd.s32 $0xFFFFFF80  }
0x1c: {  	[tilespmem:s22], [sflag:$0x2] =	stream.linear.gather [hbm4b:s10+s2], $0x80, $0x38;
	[tilespmem:$0x18A80] =	vst v63  }
0x1d: {  	_ =	swait.ge [sflag:s20], $0x80  }
0x1e: {  	[sflag:s20] =	ssyncset.done $0x0  }
0x1f: {  	[sflag:s20] =	ssyncadd.s32 $0xFFFFFF80  }
0x20: {  	[tilespmem:s24], [sflag:$0x1] =	stream.indirect.gather [hbm4b:s5+s23], $0x80, s21, s23, $0xb8;
	[tilespmem:$0x18A80] =	vst v63  }
0x21: {  	_ =	swait.ge [sflag:s25], $0x4000  }
0x22: {  	[sflag:s25] =	ssyncset.done $0x0  }
0x23: {  	[sflag:s25] =	ssyncadd.s32 $0xFFFFC000  }
0x24: {  	[spmem:s1] =	stream.indirect.scatter.add.f32 [tilespmem:s24], [sflag:$0x2], $0x80, s22, s23, $0xb8;
	[tilespmem:$0x18A80] =	vst v63  }
0x25: {  	_ =	swait.ge [sflag:s20], $0x4000  }
0x26: {  	[sflag:s20] =	ssyncset.done $0x0  }
0x27: {  	s3 =	smov.u32 s5;
	[sflag:s20] =	ssyncadd.s32 $0xFFFFC000  }
.LBB2_8:
0x28: {  	[tilespmem:s26], [sflag:$0x2] =	stream.linear.gather [hbm4b:s11+s2], $0x20, $0x38;
	[tilespmem:$0x18A80] =	vst v63  }
0x29: {  	_ =	swait.ge [sflag:s20], $0x20  }
0x2a: {  	[sflag:s20] =	ssyncset.done $0x0  }
0x2b: {  	[sflag:s20] =	ssyncadd.s32 $0xFFFFFFE0  }
0x2c: {  	[tilespmem:s28], [sflag:$0x2] =	stream.linear.gather [hbm4b:s12+s2], $0x20, $0x38;
	[tilespmem:$0x18A80] =	vst v63  }
0x2d: {  	_ =	swait.ge [sflag:s20], $0x20  }
0x2e: {  	[sflag:s20] =	ssyncset.done $0x0  }
0x2f: {  	[sflag:s20] =	ssyncadd.s32 $0xFFFFFFE0  }
0x30: {  	[tilespmem:s30], [sflag:$0x1] =	stream.indirect.gather [hbm4b:s3+s29], $0x80, s26, s29, $0xb8;
	[tilespmem:$0x18A80] =	vst v63  }
0x31: {  	_ =	swait.ge [sflag:s25], $0x1000  }
0x32: {  	[sflag:s25] =	ssyncset.done $0x0  }
0x33: {  	[sflag:s25] =	ssyncadd.s32 $0xFFFFF000  }
0x34: {  	[spmem:s1] =	stream.indirect.scatter.add.f32 [tilespmem:s30], [sflag:$0x2], $0x80, s28, s29, $0xb8;
	[tilespmem:$0x18A80] =	vst v63  }
0x35: {  	_ =	swait.ge [sflag:s20], $0x1000  }
0x36: {  	[sflag:s20] =	ssyncset.done $0x0  }
0x37: {  	[sflag:s20] =	ssyncadd.s32 $0xFFFFF000  }
0x38: {  	[bflag:$0x0] =	sbarrier.arrive $0xFFFF  }
0x39: {  	[hbm:s13], [sflag:s18] =	dma.local [spmem:s19], $0x2700  }
0x3a: {  	_ =	swait.ge [sflag:s20], $0x2700  }
0x3b: {  	s31 =	sadd.s32 $0x1, s31;
	[sflag:s20] =	ssyncset.done $0x0  }
0x3c: {  	p2 =	sne.s32 s31, s15;
	[sflag:s20] =	ssyncadd.s32 $0xFFFFD900  }
0x3d: {  	[hbm:s14], [sflag:s18] =	dma.local @!p1 [spmem:s0], $0x100  }
.Ltmp1:
0x3e: {  	_ = 	snop;
	(pc) =	sbr.rel @!p2 .LBB2_9-.Ltmp1, $4  }
0x3f: {  	s0 =	simm.s32 @!p1 $0x2  }
0x40: {  	_ =	swait.ge @!p1 [sflag:s0], $0x100  }
0x41: {  	[sflag:s0] =	ssyncset.done @!p1 $0x0  }
0x42: {  	[sflag:s0] =	ssyncadd.s32 @!p1 $0xFFFFFF00  }
.LBB2_1:
.Ltmp2:
0x43: {  	(pc) =	sbr.rel @p0 .LBB2_5-.Ltmp2, $2  }
0x44: {  	_ =	sdelay $0x2  }
0x45: {  	s0 =	sshrl.u32 @!p1 s7, $0x3  }
0x46: {  	s3 =	rddreg [dreg:$0x5]  }
0x47: {  	[spmem:s19], [sflag:s18] =	dma.local [hbm:s3], $0x2700  }
0x48: {  	_ =	swait.ge [sflag:s20], $0x2700  }
0x49: {  	[sflag:s20] =	ssyncset.done $0x0  }
0x4a: {  	s3 =	rddreg [dreg:$0x6];
	[sflag:s20] =	ssyncadd.s32 $0xFFFFD900  }
0x4b: {  	[spmem:s0], [sflag:s18] =	dma.local @!p1 [hbm:s3], $0x100  }
0x4c: {  	s3 =	simm.s32 @!p1 $0x2  }
0x4d: {  	_ =	swait.ge @!p1 [sflag:s3], $0x100  }
0x4e: {  	[sflag:s3] =	ssyncset.done @!p1 $0x0  }
0x4f: {  	[sflag:s3] =	ssyncadd.s32 @!p1 $0xFFFFFF00  }
0x50: {  	s9 =	sadd.s32 $0x0, s17;
	[bflag:$0x0] =	sbarrier.arrive $0xFFFF  }
0x51: {  	[tilespmem:s21], [sflag:$0x2] =	stream.linear.gather [hbm4b:s9+s2], $0x80, $0x38;
	[tilespmem:$0x18A80] =	vst v63  }
0x52: {  	_ =	swait.ge [sflag:s20], $0x80  }
0x53: {  	[sflag:s20] =	ssyncset.done $0x0  }
0x54: {  	s10 =	sadd.s32 $0x0, s16;
	[sflag:s20] =	ssyncadd.s32 $0xFFFFFF80  }
0x55: {  	[tilespmem:s22], [sflag:$0x2] =	stream.linear.gather [hbm4b:s10+s2], $0x80, $0x38;
	[tilespmem:$0x18A80] =	vst v63  }
0x56: {  	_ =	swait.ge [sflag:s20], $0x80  }
0x57: {  	[sflag:s20] =	ssyncset.done $0x0  }
0x58: {  	[sflag:s20] =	ssyncadd.s32 $0xFFFFFF80  }
0x59: {  	[tilespmem:s24], [sflag:$0x1] =	stream.indirect.gather [hbm4b:s4+s23], $0x80, s21, s23, $0xb8;
	[tilespmem:$0x18A80] =	vst v63  }
0x5a: {  	_ =	swait.ge [sflag:s25], $0x4000  }
0x5b: {  	[sflag:s25] =	ssyncset.done $0x0  }
0x5c: {  	[sflag:s25] =	ssyncadd.s32 $0xFFFFC000  }
0x5d: {  	[spmem:s1] =	stream.indirect.scatter.add.f32 [tilespmem:s24], [sflag:$0x2], $0x80, s22, s23, $0xb8;
	[tilespmem:$0x18A80] =	vst v63  }
0x5e: {  	_ =	swait.ge [sflag:s20], $0x4000  }
0x5f: {  	s6 =	simm.s32 $0x20;
	s3 =	simm.s32 $0x10;
	[sflag:s20] =	ssyncset.done $0x0  }
.LBB2_3:
0x60: {  	s8 =	sadd.s32 s3, s17  }
0x61: {  	[sflag:s20] =	ssyncadd.s32 $0xFFFFC000;
	s9 =	smov.u32 s6;
	s10 =	sadd.s32 $0x10, s6  }
0x62: {  	[tilespmem:s21], [sflag:$0x2] =	stream.linear.gather [hbm4b:s8+s2], $0x80, $0x38;
	[tilespmem:$0x18A80] =	vst v63  }
0x63: {  	p2 =	seq.s32 s6, $0x9B0;
	_ =	swait.ge [sflag:s20], $0x80  }
0x64: {  	[sflag:s20] =	ssyncset.done $0x0  }
0x65: {  	s6 =	sadd.s32 s3, s16;
	s3 =	smov.u32 s9;
	[sflag:s20] =	ssyncadd.s32 $0xFFFFFF80  }
0x66: {  	[tilespmem:s22], [sflag:$0x2] =	stream.linear.gather [hbm4b:s6+s2], $0x80, $0x38;
	[tilespmem:$0x18A80] =	vst v63  }
0x67: {  	_ =	swait.ge [sflag:s20], $0x80  }
0x68: {  	[sflag:s20] =	ssyncset.done $0x0  }
0x69: {  	[sflag:s20] =	ssyncadd.s32 $0xFFFFFF80  }
0x6a: {  	[tilespmem:s24], [sflag:$0x1] =	stream.indirect.gather [hbm4b:s4+s23], $0x80, s21, s23, $0xb8;
	[tilespmem:$0x18A80] =	vst v63  }
0x6b: {  	_ =	swait.ge [sflag:s25], $0x4000  }
.Ltmp3:
0x6c: {  	[sflag:s25] =	ssyncset.done $0x0;
	(pc) =	sbr.rel @!p2 .LBB2_3-.Ltmp3, $4  }
0x6d: {  	[sflag:s25] =	ssyncadd.s32 $0xFFFFC000  }
0x6e: {  	[spmem:s1] =	stream.indirect.scatter.add.f32 [tilespmem:s24], [sflag:$0x2], $0x80, s22, s23, $0xb8;
	[tilespmem:$0x18A80] =	vst v63  }
0x6f: {  	_ =	swait.ge [sflag:s20], $0x4000  }
0x70: {  	s6 =	smov.u32 s10;
	[sflag:s20] =	ssyncset.done $0x0  }
0x71: {  	s6 =	sadd.s32 s3, s17;
	[sflag:s20] =	ssyncadd.s32 $0xFFFFC000  }
0x72: {  	[tilespmem:s21], [sflag:$0x2] =	stream.linear.gather [hbm4b:s6+s2], $0x80, $0x38;
	[tilespmem:$0x18A80] =	vst v63  }
0x73: {  	_ =	swait.ge [sflag:s20], $0x80  }
0x74: {  	[sflag:s20] =	ssyncset.done $0x0  }
0x75: {  	s10 =	sadd.s32 s3, s16;
	[sflag:s20] =	ssyncadd.s32 $0xFFFFFF80  }
0x76: {  	[tilespmem:s22], [sflag:$0x2] =	stream.linear.gather [hbm4b:s10+s2], $0x80, $0x38;
	[tilespmem:$0x18A80] =	vst v63  }
0x77: {  	_ =	swait.ge [sflag:s20], $0x80  }
0x78: {  	[sflag:s20] =	ssyncset.done $0x0  }
0x79: {  	[sflag:s20] =	ssyncadd.s32 $0xFFFFFF80  }
0x7a: {  	[tilespmem:s24], [sflag:$0x1] =	stream.indirect.gather [hbm4b:s4+s23], $0x80, s21, s23, $0xb8;
	[tilespmem:$0x18A80] =	vst v63  }
0x7b: {  	_ =	swait.ge [sflag:s25], $0x4000  }
0x7c: {  	[sflag:s25] =	ssyncset.done $0x0  }
.Ltmp4:
0x7d: {  	[sflag:s25] =	ssyncadd.s32 $0xFFFFC000;
	(pc) =	sbr.rel .LBB2_8-.Ltmp4, $4  }
0x7e: {  	[spmem:s1] =	stream.indirect.scatter.add.f32 [tilespmem:s24], [sflag:$0x2], $0x80, s22, s23, $0xb8;
	[tilespmem:$0x18A80] =	vst v63  }
0x7f: {  	_ =	swait.ge [sflag:s20], $0x4000  }
0x80: {  	[sflag:s20] =	ssyncset.done $0x0  }
0x81: {  	s3 =	smov.u32 s4;
	[sflag:s20] =	ssyncadd.s32 $0xFFFFC000  }
.LBB2_5:
0x82: {  	s3 =	rddreg [dreg:$0x3]  }
0x83: {  	[spmem:s19], [sflag:s18] =	dma.local [hbm:s3], $0x2700  }
0x84: {  	_ =	swait.ge [sflag:s20], $0x2700  }
0x85: {  	[sflag:s20] =	ssyncset.done $0x0  }
0x86: {  	s3 =	rddreg [dreg:$0x4];
	[sflag:s20] =	ssyncadd.s32 $0xFFFFD900  }
0x87: {  	[spmem:s0], [sflag:s18] =	dma.local @!p1 [hbm:s3], $0x100  }
0x88: {  	s3 =	simm.s32 @!p1 $0x2  }
0x89: {  	_ =	swait.ge @!p1 [sflag:s3], $0x100  }
0x8a: {  	[sflag:s3] =	ssyncset.done @!p1 $0x0  }
0x8b: {  	[sflag:s3] =	ssyncadd.s32 @!p1 $0xFFFFFF00  }
0x8c: {  	s9 =	sadd.s32 $0x0, s17;
	[bflag:$0x0] =	sbarrier.arrive $0xFFFF  }
0x8d: {  	[tilespmem:s21], [sflag:$0x2] =	stream.linear.gather [hbm4b:s9+s2], $0x80, $0x38;
	[tilespmem:$0x18A80] =	vst v63  }
0x8e: {  	_ =	swait.ge [sflag:s20], $0x80  }
0x8f: {  	[sflag:s20] =	ssyncset.done $0x0  }
0x90: {  	s10 =	sadd.s32 $0x0, s16;
	[sflag:s20] =	ssyncadd.s32 $0xFFFFFF80  }
0x91: {  	[tilespmem:s22], [sflag:$0x2] =	stream.linear.gather [hbm4b:s10+s2], $0x80, $0x38;
	[tilespmem:$0x18A80] =	vst v63  }
0x92: {  	_ =	swait.ge [sflag:s20], $0x80  }
0x93: {  	[sflag:s20] =	ssyncset.done $0x0  }
0x94: {  	[sflag:s20] =	ssyncadd.s32 $0xFFFFFF80  }
0x95: {  	[tilespmem:s24], [sflag:$0x1] =	stream.indirect.gather [hbm4b:s5+s23], $0x80, s21, s23, $0xb8;
	[tilespmem:$0x18A80] =	vst v63  }
0x96: {  	_ =	swait.ge [sflag:s25], $0x4000  }
0x97: {  	[sflag:s25] =	ssyncset.done $0x0  }
0x98: {  	[sflag:s25] =	ssyncadd.s32 $0xFFFFC000  }
0x99: {  	[spmem:s1] =	stream.indirect.scatter.add.f32 [tilespmem:s24], [sflag:$0x2], $0x80, s22, s23, $0xb8;
	[tilespmem:$0x18A80] =	vst v63  }
0x9a: {  	_ =	swait.ge [sflag:s20], $0x4000  }
0x9b: {  	s6 =	simm.s32 $0x20;
	s3 =	simm.s32 $0x10;
	[sflag:s20] =	ssyncset.done $0x0  }
.LBB2_6:
0x9c: {  	s8 =	sadd.s32 s3, s17  }
0x9d: {  	[sflag:s20] =	ssyncadd.s32 $0xFFFFC000;
	s9 =	smov.u32 s6;
	s10 =	sadd.s32 $0x10, s6  }
0x9e: {  	[tilespmem:s21], [sflag:$0x2] =	stream.linear.gather [hbm4b:s8+s2], $0x80, $0x38;
	[tilespmem:$0x18A80] =	vst v63  }
0x9f: {  	p2 =	sne.s32 s6, $0x9B0;
	_ =	swait.ge [sflag:s20], $0x80  }
0xa0: {  	[sflag:s20] =	ssyncset.done $0x0  }
0xa1: {  	s6 =	sadd.s32 s3, s16;
	s3 =	smov.u32 s9;
	[sflag:s20] =	ssyncadd.s32 $0xFFFFFF80  }
0xa2: {  	[tilespmem:s22], [sflag:$0x2] =	stream.linear.gather [hbm4b:s6+s2], $0x80, $0x38;
	[tilespmem:$0x18A80] =	vst v63  }
0xa3: {  	_ =	swait.ge [sflag:s20], $0x80  }
0xa4: {  	[sflag:s20] =	ssyncset.done $0x0  }
0xa5: {  	[sflag:s20] =	ssyncadd.s32 $0xFFFFFF80  }
0xa6: {  	[tilespmem:s24], [sflag:$0x1] =	stream.indirect.gather [hbm4b:s5+s23], $0x80, s21, s23, $0xb8;
	[tilespmem:$0x18A80] =	vst v63  }
0xa7: {  	_ =	swait.ge [sflag:s25], $0x4000  }
.Ltmp5:
0xa8: {  	[sflag:s25] =	ssyncset.done $0x0;
	(pc) =	sbr.rel @p2 .LBB2_6-.Ltmp5, $4  }
0xa9: {  	[sflag:s25] =	ssyncadd.s32 $0xFFFFC000  }
0xaa: {  	[spmem:s1] =	stream.indirect.scatter.add.f32 [tilespmem:s24], [sflag:$0x2], $0x80, s22, s23, $0xb8;
	[tilespmem:$0x18A80] =	vst v63  }
0xab: {  	_ =	swait.ge [sflag:s20], $0x4000  }
0xac: {  	s6 =	smov.u32 s10;
	[sflag:s20] =	ssyncset.done $0x0  }
.Ltmp6:
0xad: {  	_ = 	snop;
	(pc) =	sbr.rel .LBB2_7-.Ltmp6, $1  }
0xae: {  	_ =	sdelay $0x3  }
.LBB2_9:
0xaf: {  	_ =	sfence.sel $0x180000  }
0xb0: {  	[bflag:$0x0] =	sbarrier.arrive $0xFFFF  }
0xb1: {  	_ =	strace $0x9000004D  }
0xb2: {  	s0 =	stileid.u32;
	[bflag:$0x2] =	sbarrier.arrive $0xFFFF  }
0xb3: {  	p0 =	sne.s32 s0, $0x0;
	s0 =	rddreg [dreg:$0x2]  }
0xb4: {  	s0 =	sadd.s32 @!p0 $0x100000, s0  }
0xb5: {  	[sflag:s0] =	ssyncadd.tile.s32 @!p0 $0x1;
	_ =	shalt  }
.Lfunc_end2:
_tile_overlayer_lowered:
.L_overlay_start_2:
0xb6: {  	(tag) =	ssettag $0x2  }
0xb7: {  	s0 =	rddreg [dreg:$0x0];
	s2 =	stileid.u32  }
0xb8: {  	s1 =	rddreg [dreg:$0x1];
	p0 =	sne.s32 s2, $0x0  }
0xb9: {  	s3 =	rddreg [dreg:$0x2];
	[bflag:$0x3] =	sbarrier.arrive $0xFFFF;
	s2 =	simm.s32 @!p0 $0x1C02  }
0xba: {  	[timem:s3], [sflag:s2] =	dma.local @!p0 [hbm:s0], s1  }
0xbb: {  	s0 =	simm.s32 @!p0 $0x2  }
0xbc: {  	_ =	swait.ge @!p0 [sflag:s0], s1  }
0xbd: {  	s1 =	ssub.s32 @!p0 $0x0, s1;
	[sflag:s0] =	ssyncset.done @!p0 $0x0  }
0xbe: {  	[sflag:s0] =	ssyncadd.s32 @!p0 s1  }
0xbf: {  	[bflag:$0x3] =	sbarrier.arrive $0xFFFF  }
0xc0: {  	_ =	shalt  }

// kernel: kernel.18.cloned.1.call-start
scs
__scs_entry_jumppad:
0x0: {  	(pc) =	sbr.rel $0x88, $3  }
0x1: {  	(tag) =	ssettag $0x0;
	lr =	simm.s32 $0x1  }
0x2: {  	[smem:$0x3F98] =	sst lr;
	_ =	strace $0xD0000000  }
0x3: {  	_ = 	snop  }
0x4: {  	_ = 	snop  }
0x5: {  	_ = 	snop  }
0x6: {  	_ = 	snop  }
0x7: {  	_ = 	snop  }
__scs_overlays_trampoline_lowered:
0x8: {  	[smem:$0x3FA7] =	sst s0  }
0x9: {  	[smem:$0x3FA8] =	sst s1  }
0xa: {  	[smem:$0x3FA9] =	sst s2  }
0xb: {  	[smem:$0x3FAA] =	sst s3  }
0xc: {  	[smem:$0x3FAB] =	sst s4  }
0xd: {  	[smem:$0x3FAC] =	sst s5  }
0xe: {  	[smem:$0x3FAD] =	sst s6  }
0xf: {  	[smem:$0x3FAE] =	sst s7  }
0x10: {  	[smem:$0x3FAF] =	sst s8  }
0x11: {  	[smem:$0x3FB0] =	sst s9;
	s0 =	simm.s32 @!p0 $0x0  }
0x12: {  	s1 =	sld [smem:$0x3F96];
	s0 =	simm.s32 @p0 $0x1  }
0x13: {  	[smem:$0x3FB1] =	sst s0;
	s0 =	simm.s32 @!p1 $0x0  }
0x14: {  	s2 =	sld [smem:$0x3F95];
	s0 =	simm.s32 @p1 $0x1  }
0x15: {  	[smem:$0x3FB2] =	sst s0;
	s0 =	simm.s32 @!p2 $0x0  }
0x16: {  	s3 =	sld [smem:$0x3FDB];
	s0 =	simm.s32 @p2 $0x1  }
0x17: {  	s4 =	simm.s32 $0x1BF5;
	[smem:$0x3FB4] =	sst s0  }
0x18: {  	s0 =	sld [smem:$0x3F97];
	_ =	swait.ge [sflag:s4], $0x0  }
0x19: {  	s7 =	sld [smem:$0x3F98]  }
0x1a: {  	s8 =	sadd.s32 $0xFFFFE003, lr  }
0x1b: {  	s9 =	sadd.s32 $0xFFFFFEF7, lr;
	s5 =	simm.s32 $0xFFFFFFFF;
	p2 =	slt.u32 s8, $0xFFFFF086  }
0x1c: {  	p1 =	slt.u32 s9, $0xF7A;
	s5 =	simm.s32 @!p2 $0x0  }
0x1d: {  	s5 =	simm.s32 @p1 $0x1;
	p0 =	seq.s32 s7, s2  }
0x1e: {  	s7 =	smul.u32 @!p0 $0xF7A, s2;
	p2 =	seq.s32 @!p0 s5, $0x0  }
0x1f: {  	s9 =	smul.u32 $0xF7A, s1;
	s8 =	simm.s32 @!p0 $0x1BF5;
	p2 =	por !p2, p0  }
0x20: {  	[sflag:s8] =	ssyncset.s32 @!p0 $0xFFFFF086;
	s6 =	sadd.s32 @!p0 s3, s7;
	s7 =	simm.s32 @!p0 $0x108  }
0x21: {  	s3 =	sadd.s32 s3, s9;
	s6 =	sadd.s32 @!p0 $0x88, s6;
	s7 =	simm.s32 @p2 $0x1082  }
0x22: {  	[simem:s7], [sflag:s8] =	dma.local @!p0 [hbm:s6], $0xF7A  }
0x23: {  	s9 =	sor.u32 $0xD0000000, s2;
	s6 =	simm.s32 $0x108;
	_ =	swait.ge @!p0 [sflag:s8], $0x0  }
0x24: {  	s3 =	sadd.s32 $0x88, s3;
	s6 =	simm.s32 @!p1 $0x1082;
	[sflag:s4] =	ssyncset.s32 $0xFFFFF086  }
0x25: {  	[simem:s6], [sflag:s4] =	dma.local [hbm:s3], $0xF7A  }
0x26: {  	[smem:$0x3F98] =	sst s1;
	(tag) =	ssettag s2;
	_ =	strace s9  }
0x27: {  	s1 =	sld [smem:$0x3FA8]  }
0x28: {  	s2 =	sld [smem:$0x3FA9]  }
0x29: {  	s4 =	sld [smem:$0x3FAB]  }
0x2a: {  	p0 =	seq.s32 s5, $0x0;
	s5 =	sld [smem:$0x3FAC]  }
0x2b: {  	s6 =	sld [smem:$0x3FAD]  }
0x2c: {  	s7 =	sld [smem:$0x3FAE]  }
0x2d: {  	s3 =	simm.s32 $0x108;
	s8 =	sld [smem:$0x3FAF]  }
0x2e: {  	s3 =	simm.s32 @!p0 $0x1082;
	s9 =	sld [smem:$0x3FB0]  }
0x2f: {  	lr =	sadd.s32 s0, s3;
	s0 =	sld [smem:$0x3FA7]  }
0x30: {  	s3 =	sld [smem:$0x3FAA]  }
0x31: {  	[smem:$0x3FB3] =	sst s10  }
0x32: {  	s10 =	sld [smem:$0x3FB1];
	_ =	sdelay $0x3  }
0x33: {  	p0 =	seq.s32 s10, $0x1;
	s10 =	sld [smem:$0x3FB3];
	_ =	sdelay $0x3  }
0x34: {  	[smem:$0x3FB3] =	sst s10  }
0x35: {  	s10 =	sld [smem:$0x3FB2];
	_ =	sdelay $0x3  }
0x36: {  	p1 =	seq.s32 s10, $0x1;
	s10 =	sld [smem:$0x3FB3];
	_ =	sdelay $0x3  }
0x37: {  	[smem:$0x3FB3] =	sst s10  }
0x38: {  	s10 =	sld [smem:$0x3FB4]  }
0x39: {  	_ = 	snop;
	(pc) =	sbr.ind lr, $3  }
0x3a: {  	_ = 	snop  }
0x3b: {  	_ = 	snop  }
0x3c: {  	p2 =	seq.s32 s10, $0x1;
	s10 =	sld [smem:$0x3FB3]  }
0x3d: {  	_ =	shalt  }
0x3e: {  	_ =	shalt  }
0x3f: {  	_ =	shalt  }
0x40: {  	_ =	shalt  }
0x41: {  	_ =	shalt  }
0x42: {  	_ =	shalt  }
0x43: {  	_ =	shalt  }
0x44: {  	_ =	shalt  }
0x45: {  	_ =	shalt  }
0x46: {  	_ =	shalt  }
0x47: {  	_ =	shalt  }
0x48: {  	_ =	shalt  }
0x49: {  	_ =	shalt  }
0x4a: {  	_ =	shalt  }
0x4b: {  	_ =	shalt  }
0x4c: {  	_ =	shalt  }
0x4d: {  	_ =	shalt  }
0x4e: {  	_ =	shalt  }
0x4f: {  	_ =	shalt  }
0x50: {  	_ =	shalt  }
0x51: {  	_ =	shalt  }
0x52: {  	_ =	shalt  }
0x53: {  	_ =	shalt  }
0x54: {  	_ =	shalt  }
0x55: {  	_ =	shalt  }
0x56: {  	_ =	shalt  }
0x57: {  	_ =	shalt  }
0x58: {  	_ =	shalt  }
0x59: {  	_ =	shalt  }
0x5a: {  	_ =	shalt  }
0x5b: {  	_ =	shalt  }
0x5c: {  	_ =	shalt  }
0x5d: {  	_ =	shalt  }
0x5e: {  	_ =	shalt  }
0x5f: {  	_ =	shalt  }
0x60: {  	_ =	shalt  }
0x61: {  	_ =	shalt  }
0x62: {  	_ =	shalt  }
0x63: {  	_ =	shalt  }
0x64: {  	_ =	shalt  }
0x65: {  	_ =	shalt  }
0x66: {  	_ =	shalt  }
0x67: {  	_ =	shalt  }
0x68: {  	_ =	shalt  }
0x69: {  	_ =	shalt  }
0x6a: {  	_ =	shalt  }
0x6b: {  	_ =	shalt  }
0x6c: {  	_ =	shalt  }
0x6d: {  	_ =	shalt  }
0x6e: {  	_ =	shalt  }
0x6f: {  	_ =	shalt  }
0x70: {  	_ =	shalt  }
0x71: {  	_ =	shalt  }
0x72: {  	_ =	shalt  }
0x73: {  	_ =	shalt  }
0x74: {  	_ =	shalt  }
0x75: {  	_ =	shalt  }
0x76: {  	_ =	shalt  }
0x77: {  	_ =	shalt  }
0x78: {  	_ =	shalt  }
0x79: {  	_ =	shalt  }
0x7a: {  	_ =	shalt  }
0x7b: {  	_ =	shalt  }
0x7c: {  	_ =	shalt  }
0x7d: {  	_ =	shalt  }
0x7e: {  	_ =	shalt  }
0x7f: {  	_ =	shalt  }
0x80: {  	_ =	shalt  }
0x81: {  	_ =	shalt  }
0x82: {  	_ =	shalt  }
0x83: {  	_ =	shalt  }
0x84: {  	_ =	shalt  }
0x85: {  	_ =	shalt  }
0x86: {  	_ =	shalt  }
0x87: {  	_ =	shalt  }
.Lfunc_end0:
.L_simem_size_0:
called_computation.3_lowered:
.L_overlay_start_0:
0x88: {  	s2 =	sld [smem:$0x3FD9]  }
0x89: {  	s3 =	sld [smem:$0x3FFE];
	_ =	sdelay $0x1  }
0x8a: {  	s1 =	srdreg.scid  }
0x8b: {  	s0 =	sand.u32 $0x1, s1  }
0x8c: {  	s17 =	sshll.u32 s0, $0xA;
	s2 =	sadd.s32 s3, s2  }
0x8d: {  	s2 =	sadd.s32 s2, s17  }
0x8e: {  	[smem:$0x3FBF] =	sst s2  }
0x8f: {  	_ = 	snop  }
0x90: {  	s2 =	sld [smem:$0x3FC7]  }
0x91: {  	s18 =	sld [smem:$0x3FD0];
	(tm) =	ssettm $0x1  }
0x92: {  	s4 =	sld [smem:$0x3FFB];
	_ =	sdelay $0x3  }
0x93: {  	_ =	strace s4  }
0x94: {  	s4 =	sld [smem:$0x3FFC];
	_ =	sdelay $0x3  }
0x95: {  	_ =	strace s4  }
0x96: {  	s4 =	sld [smem:$0x3FFD];
	_ =	sdelay $0x3  }
0x97: {  	_ =	strace s4  }
0x98: {  	_ =	strace $0x8FFFFFFF  }
0x99: {  	s19 =	sld [smem:$0x3FDB];
	_ =	sdelay $0x1  }
0x9a: {  	s5 =	simm.s32 $_scs_section_size  }
0x9b: {  	s6 =	simm.s32 $_size__tile_overlayer_lowered;
	s7 =	simm.s32 $_tile_overlayer_lowered  }
0x9c: {  	s22 =	simm.s32 $0x1BFF;
	s21 =	sshll.u32 s7, $0x1;
	s4 =	sadd.s32 s5, s19  }
0x9d: {  	s8 =	simm.s32 $0x0;
	s20 =	sshll.u32 s6, $0x1;
	s6 =	sadd.s32 s21, s4  }
0x9e: {  	[timem:s8], [sflag:s22] =	dma.local [hbm:s6], s20  }
0x9f: {  	_ =	swait.ge [sflag:s22], s20  }
0xa0: {  	s5 =	ssub.s32 $0x0, s20;
	[sflag:s22] =	ssyncset.done $0x0  }
0xa1: {  	[sflag:s22] =	ssyncadd.s32 s5;
	_ =	sdelay $0x1  }
0xa2: {  	s23 =	simm.s32 $0x1B8B  }
0xa3: {  	_ =	swait.ge [sflag:s23], $0x1  }
0xa4: {  	[sflag:s23] =	ssyncset.done $0x0  }
0xa5: {  	s25 =	simm.s32 $0x1B8E;
	s24 =	sld [smem:$0x3FFE];
	[sflag:s23] =	ssyncadd.s32 $0xFFFFFFFF  }
0xa6: {  	s26 =	simm.s32 $execute0_lowered;
	[smem:$0x3FD2] =	sst s25  }
0xa7: {  	s6 =	sshll.u32 s26, $0x1;
	_ =	strace $0x8000004F;
	[dreg:$0x1] =	wrdreg $0xFFFFFFFF  }
0xa8: {  	s28 =	simm.s32 $_size_execute0_lowered;
	s4 =	sadd.s32 s4, s6;
	[dreg:$0x0] =	wrdreg $0x0  }
0xa9: {  	s6 =	sshll.u32 s28, $0x1;
	[dreg:$0x2] =	wrdreg s4  }
0xaa: {  	[dreg:$0x3] =	wrdreg s6  }
0xab: {  	[dreg:$0x4] =	wrdreg $0xC0  }
0xac: {  	_ =	task [dreg:s8], $0x5FFFF  }
0xad: {  	[dreg:$0x1] =	wrdreg $0xFFFFFFFF  }
0xae: {  	[dreg:$0x0] =	wrdreg $0x60  }
0xaf: {  	[dreg:$0x2] =	wrdreg s24  }
0xb0: {  	[dreg:$0x3] =	wrdreg s2  }
0xb1: {  	[dreg:$0x4] =	wrdreg s18  }
0xb2: {  	[dreg:$0x5] =	wrdreg $0x9  }
0xb3: {  	_ =	task.clear_ibuf [dreg:s8], $0x6FFFF;
	_ =	strace $0x9000004F  }
0xb4: {  	s29 =	simm.s32 $0x9;
	_ =	strace $0x80000051  }
0xb5: {  	_ =	swait.ge [sflag:s29], $0x1  }
0xb6: {  	[sflag:s29] =	ssyncadd.s32 $0xFFFFFFFF  }
0xb7: {  	_ =	strace $0x90000051  }
0xb8: {  	_ =	sfence  }
0xb9: {  	s30 =	sld [smem:$0x0];
	_ =	sdelay $0x2  }
0xba: {  	s31 =	sshll.u32 s1, $0xD;
	s1 =	sshrl.u32 s1, $0x2  }
0xbb: {  	s3 =	sand.u32 $0x4000, s31;
	s1 =	sadd.s32 s1, s30  }
0xbc: {  	s0 =	sor.u32 s3, s0;
	s1 =	sshll.u32 s1, $0x11  }
0xbd: {  	s0 =	sor.u32 s1, s0  }
0xbe: {  	s0 =	sadd.s32 $0x8F2B, s0  }
0xbf: {  	[sflag:s0] =	ssyncadd.remote.s32 $0x1  }
0xc0: {  	_ =	sfence.sel $0xFFFF  }
0xc1: {  	[dreg:$0x0] =	wrdreg $0xFFFFFFFF;
	(pc) =	sbr.abs _section_cstart, $3  }
0xc2: {  	[dreg:$0x1] =	wrdreg $0xFFFFFFFF  }
0xc3: {  	_ =	task.clear_ibuf [dreg:s8], $0x2FFFF;
	_ =	strace $0x9FFFFFFF  }
0xc4: {  	(tm) =	ssettm $0x7FFFFFFF  }
0xc5: {  	_ =	shalt  }
tec
execute0_lowered:
.L_overlay_start_1:
0x0: {  	(tag) =	ssettag $0x1  }
0x1: {  	s1 =	rddreg [dreg:$0x0]  }
0x2: {  	s5 =	rddreg [dreg:$0x1]  }
0x3: {  	s7 =	rddreg [dreg:$0x2]  }
0x4: {  	s0 =	rddreg [dreg:$0x3];
	s2 =	simm.s32 $0x0;
	s4 =	srdreg.scid  }
0x5: {  	[smem:$0x7FF] =	sst s2;
	s3 =	sadd.s32 $0x1E00, s1;
	s1 =	stileid.u32  }
0x6: {  	s8 =	sand.u32 $0x1, s4;
	s4 =	simm.s32 $0x1;
	_ =	strace $0x80000050  }
0x7: {  	[tilespmem:s2], [sflag:$0x1] =	stream.linear.gather [hbm4b:s3+s2], $0x2780, $0x38;
	[tilespmem:$0x2880] =	vst v63  }
0x8: {  	s6 =	sshll.u32 s1, $0x3;
	s9 =	sshll.u32 s8, $0x2;
	_ =	swait.ge [sflag:s4], $0x2780  }
0x9: {  	s9 =	sor.u32 s9, s6;
	[sflag:s4] =	ssyncset.done $0x0  }
0xa: {  	s6 =	simm.s32 $0x2780;
	s5 =	sadd.s32 s5, s9;
	[sflag:s4] =	ssyncadd.s32 $0xFFFFD880  }
0xb: {  	[tilespmem:s6], [sflag:$0x1] =	stream.linear.gather [hbm4b:s5+s2], $0x20, $0x38;
	[tilespmem:$0x2880] =	vst v63  }
0xc: {  	_ =	swait.ge [sflag:s4], $0x20  }
0xd: {  	[sflag:s4] =	ssyncset.done $0x0  }
0xe: {  	[sflag:s4] =	ssyncadd.s32 $0xFFFFFFE0  }
0xf: {  	v0 =	vld [tilespmem:$0x2780];
	_ =	sdelay $0x7  }
0x10: {  	v0 =	vld.idx.msk [tilespmem:v0+s2+$0x0], $0xffff;
	_ =	sdelay $0x4  }
0x11: {  	v0 =	vsub.f32 $0.0e+00, v0;
	_ =	sdelay $0x1  }
0x12: {  	v0 =	vmul.f32 $1.442695020e+00, v0;
	_ =	sdelay $0x1  }
0x13: {  	(erf) = vpow2.f32 v0;
	_ =	sdelay $0x8  }
0x14: {  	v0 =	vpop (erf)  }
0x15: {  	v0 =	vadd.f32 $1.000000000e+00, v0;
	_ =	sdelay $0x1  }
0x16: {  	(erf) = vrcp.f32 v0;
	_ =	sdelay $0x2  }
0x17: {  	v63 =	vld [tilespmem:$0x2790];
	_ =	sdelay $0x5  }
0x18: {  	v1 =	vpop (erf)  }
0x19: {  	[tilespmem:$0x2800] =	vst v1  }
0x1a: {  	v0 =	vld.idx.msk [tilespmem:v63+s2+$0x0], $0xffff;
	_ =	sdelay $0x4  }
0x1b: {  	v0 =	vsub.f32 $0.0e+00, v0;
	_ =	sdelay $0x1  }
0x1c: {  	v0 =	vmul.f32 $1.442695020e+00, v0;
	_ =	sdelay $0x1  }
0x1d: {  	(erf) = vpow2.f32 v0;
	_ =	sdelay $0x8  }
0x1e: {  	v0 =	vpop (erf)  }
0x1f: {  	v0 =	vadd.f32 $1.000000000e+00, v0;
	_ =	sdelay $0x1  }
0x20: {  	(erf) = vrcp.f32 v0;
	_ =	sdelay $0x3  }
0x21: {  	s8 =	ssub.s32 $0x2, s8  }
0x22: {  	s10 =	sshrl.u32 s8, $0x1  }
0x23: {  	s8 =	ssub.s32 s8, s10  }
0x24: {  	s31 =	smax.u32 s8, $0x1  }
0x25: {  	p0 =	sne.s32 s31, $0x1  }
.Ltmp0:
0x26: {  	v0 =	vpop (erf);
	(pc) =	sbr.rel @!p0 .LBB2_2-.Ltmp0, $4  }
0x27: {  	s7 =	sadd.s32 s7, s9;
	s8 =	simm.s32 $0x2800;
	[tilespmem:$0x2810] =	vst v0  }
0x28: {  	[hbm4b:s7+s2] =	stream.linear.scatter [tilespmem:s8], [sflag:$0x1], $0x20, $0x38;
	[tilespmem:$0x2880] =	vst v63  }
0x29: {  	_ =	swait.ge [sflag:s4], $0x20  }
0x2a: {  	s9 =	sadd.s32 $0xFFFFFFFF, s31;
	[sflag:s4] =	ssyncset.done $0x0  }
.LBB2_1:
0x2b: {  	p0 =	sne.s32 s9, $0x1;
	s9 =	sadd.s32 $0xFFFFFFFF, s9;
	[sflag:s4] =	ssyncadd.s32 $0xFFFFFFE0  }
0x2c: {  	[tilespmem:s2], [sflag:$0x1] =	stream.linear.gather [hbm4b:s3+s2], $0x2780, $0x38;
	[tilespmem:$0x2880] =	vst v63  }
0x2d: {  	_ =	swait.ge [sflag:s4], $0x2780  }
0x2e: {  	[sflag:s4] =	ssyncset.done $0x0  }
0x2f: {  	[sflag:s4] =	ssyncadd.s32 $0xFFFFD880  }
0x30: {  	[tilespmem:s6], [sflag:$0x1] =	stream.linear.gather [hbm4b:s5+s2], $0x20, $0x38;
	[tilespmem:$0x2880] =	vst v63  }
0x31: {  	_ =	swait.ge [sflag:s4], $0x20  }
0x32: {  	[sflag:s4] =	ssyncset.done $0x0  }
0x33: {  	[sflag:s4] =	ssyncadd.s32 $0xFFFFFFE0  }
0x34: {  	v0 =	vld [tilespmem:$0x2780];
	_ =	sdelay $0x7  }
0x35: {  	v0 =	vld.idx.msk [tilespmem:v0+s2+$0x0], $0xffff;
	_ =	sdelay $0x5  }
0x36: {  	v0 =	vsub.f32 $0.0e+00, v0;
	_ =	sdelay $0x1  }
0x37: {  	v0 =	vmul.f32 $1.442695020e+00, v0;
	_ =	sdelay $0x1  }
0x38: {  	(erf) = vpow2.f32 v0;
	_ =	sdelay $0x8  }
0x39: {  	v0 =	vpop (erf)  }
0x3a: {  	v0 =	vadd.f32 $1.000000000e+00, v0;
	_ =	sdelay $0x1  }
0x3b: {  	(erf) = vrcp.f32 v0;
	_ =	sdelay $0x2  }
0x3c: {  	v0 =	vld [tilespmem:$0x2790];
	_ =	sdelay $0x5  }
0x3d: {  	v1 =	vpop (erf)  }
0x3e: {  	[tilespmem:$0x2800] =	vst v1  }
0x3f: {  	v0 =	vld.idx.msk [tilespmem:v0+s2+$0x0], $0xffff;
	_ =	sdelay $0x5  }
0x40: {  	v0 =	vsub.f32 $0.0e+00, v0;
	_ =	sdelay $0x1  }
0x41: {  	v0 =	vmul.f32 $1.442695020e+00, v0;
	_ =	sdelay $0x1  }
0x42: {  	(erf) = vpow2.f32 v0;
	_ =	sdelay $0x8  }
0x43: {  	v0 =	vpop (erf)  }
0x44: {  	v0 =	vadd.f32 $1.000000000e+00, v0;
	_ =	sdelay $0x1  }
0x45: {  	(erf) = vrcp.f32 v0;
	_ =	sdelay $0x8  }
.Ltmp1:
0x46: {  	v0 =	vpop (erf);
	(pc) =	sbr.rel @p0 .LBB2_1-.Ltmp1, $4  }
0x47: {  	[tilespmem:$0x2810] =	vst v0  }
0x48: {  	[hbm4b:s7+s2] =	stream.linear.scatter [tilespmem:s8], [sflag:$0x1], $0x20, $0x38;
	[tilespmem:$0x2880] =	vst v63  }
0x49: {  	_ =	swait.ge [sflag:s4], $0x20  }
0x4a: {  	[sflag:s4] =	ssyncset.done $0x0  }
.LBB2_2:
0x4b: {  	[sflag:s4] =	ssyncadd.s32 $0xFFFFFFE0  }
0x4c: {  	_ =	sfence.sel $0x180000  }
0x4d: {  	[bflag:$0x0] =	sbarrier.arrive $0xFFFF  }
0x4e: {  	p0 =	sne.s32 s1, $0x0;
	_ =	strace $0x90000050  }
0x4f: {  	s0 =	sadd.s32 @!p0 $0x100000, s0;
	[bflag:$0x2] =	sbarrier.arrive $0xFFFF  }
0x50: {  	[sflag:s0] =	ssyncadd.tile.s32 @!p0 $0x1;
	_ =	shalt  }
.Lfunc_end2:
_tile_overlayer_lowered:
.L_overlay_start_2:
0x51: {  	(tag) =	ssettag $0x2  }
0x52: {  	s0 =	rddreg [dreg:$0x0];
	s2 =	stileid.u32  }
0x53: {  	s1 =	rddreg [dreg:$0x1];
	p0 =	sne.s32 s2, $0x0  }
0x54: {  	s3 =	rddreg [dreg:$0x2];
	[bflag:$0x3] =	sbarrier.arrive $0xFFFF;
	s2 =	simm.s32 @!p0 $0x1C01  }
0x55: {  	[timem:s3], [sflag:s2] =	dma.local @!p0 [hbm:s0], s1  }
0x56: {  	s0 =	simm.s32 @!p0 $0x1  }
0x57: {  	_ =	swait.ge @!p0 [sflag:s0], s1  }
0x58: {  	s1 =	ssub.s32 @!p0 $0x0, s1;
	[sflag:s0] =	ssyncset.done @!p0 $0x0  }
0x59: {  	[sflag:s0] =	ssyncadd.s32 @!p0 s1  }
0x5a: {  	[bflag:$0x3] =	sbarrier.arrive $0xFFFF  }
0x5b: {  	_ =	shalt  }

// kernel: kernel.9.cloned.1.call-start
scs
__scs_entry_jumppad:
0x0: {  	(pc) =	sbr.rel $0x88, $3  }
0x1: {  	(tag) =	ssettag $0x0;
	lr =	simm.s32 $0x1  }
0x2: {  	[smem:$0x3F98] =	sst lr;
	_ =	strace $0xD0000000  }
0x3: {  	_ = 	snop  }
0x4: {  	_ = 	snop  }
0x5: {  	_ = 	snop  }
0x6: {  	_ = 	snop  }
0x7: {  	_ = 	snop  }
__scs_overlays_trampoline_lowered:
0x8: {  	[smem:$0x3FA7] =	sst s0  }
0x9: {  	[smem:$0x3FA8] =	sst s1  }
0xa: {  	[smem:$0x3FA9] =	sst s2  }
0xb: {  	[smem:$0x3FAA] =	sst s3  }
0xc: {  	[smem:$0x3FAB] =	sst s4  }
0xd: {  	[smem:$0x3FAC] =	sst s5  }
0xe: {  	[smem:$0x3FAD] =	sst s6  }
0xf: {  	[smem:$0x3FAE] =	sst s7  }
0x10: {  	[smem:$0x3FAF] =	sst s8  }
0x11: {  	[smem:$0x3FB0] =	sst s9;
	s0 =	simm.s32 @!p0 $0x0  }
0x12: {  	s1 =	sld [smem:$0x3F96];
	s0 =	simm.s32 @p0 $0x1  }
0x13: {  	[smem:$0x3FB1] =	sst s0;
	s0 =	simm.s32 @!p1 $0x0  }
0x14: {  	s2 =	sld [smem:$0x3F95];
	s0 =	simm.s32 @p1 $0x1  }
0x15: {  	[smem:$0x3FB2] =	sst s0;
	s0 =	simm.s32 @!p2 $0x0  }
0x16: {  	s3 =	sld [smem:$0x3FDB];
	s0 =	simm.s32 @p2 $0x1  }
0x17: {  	s4 =	simm.s32 $0x1BF5;
	[smem:$0x3FB4] =	sst s0  }
0x18: {  	s0 =	sld [smem:$0x3F97];
	_ =	swait.ge [sflag:s4], $0x0  }
0x19: {  	s7 =	sld [smem:$0x3F98]  }
0x1a: {  	s8 =	sadd.s32 $0xFFFFE003, lr  }
0x1b: {  	s9 =	sadd.s32 $0xFFFFFEF7, lr;
	s5 =	simm.s32 $0xFFFFFFFF;
	p2 =	slt.u32 s8, $0xFFFFF086  }
0x1c: {  	p1 =	slt.u32 s9, $0xF7A;
	s5 =	simm.s32 @!p2 $0x0  }
0x1d: {  	s5 =	simm.s32 @p1 $0x1;
	p0 =	seq.s32 s7, s2  }
0x1e: {  	s7 =	smul.u32 @!p0 $0xF7A, s2;
	p2 =	seq.s32 @!p0 s5, $0x0  }
0x1f: {  	s9 =	smul.u32 $0xF7A, s1;
	s8 =	simm.s32 @!p0 $0x1BF5;
	p2 =	por !p2, p0  }
0x20: {  	[sflag:s8] =	ssyncset.s32 @!p0 $0xFFFFF086;
	s6 =	sadd.s32 @!p0 s3, s7;
	s7 =	simm.s32 @!p0 $0x108  }
0x21: {  	s3 =	sadd.s32 s3, s9;
	s6 =	sadd.s32 @!p0 $0x88, s6;
	s7 =	simm.s32 @p2 $0x1082  }
0x22: {  	[simem:s7], [sflag:s8] =	dma.local @!p0 [hbm:s6], $0xF7A  }
0x23: {  	s9 =	sor.u32 $0xD0000000, s2;
	s6 =	simm.s32 $0x108;
	_ =	swait.ge @!p0 [sflag:s8], $0x0  }
0x24: {  	s3 =	sadd.s32 $0x88, s3;
	s6 =	simm.s32 @!p1 $0x1082;
	[sflag:s4] =	ssyncset.s32 $0xFFFFF086  }
0x25: {  	[simem:s6], [sflag:s4] =	dma.local [hbm:s3], $0xF7A  }
0x26: {  	[smem:$0x3F98] =	sst s1;
	(tag) =	ssettag s2;
	_ =	strace s9  }
0x27: {  	s1 =	sld [smem:$0x3FA8]  }
0x28: {  	s2 =	sld [smem:$0x3FA9]  }
0x29: {  	s4 =	sld [smem:$0x3FAB]  }
0x2a: {  	p0 =	seq.s32 s5, $0x0;
	s5 =	sld [smem:$0x3FAC]  }
0x2b: {  	s6 =	sld [smem:$0x3FAD]  }
0x2c: {  	s7 =	sld [smem:$0x3FAE]  }
0x2d: {  	s3 =	simm.s32 $0x108;
	s8 =	sld [smem:$0x3FAF]  }
0x2e: {  	s3 =	simm.s32 @!p0 $0x1082;
	s9 =	sld [smem:$0x3FB0]  }
0x2f: {  	lr =	sadd.s32 s0, s3;
	s0 =	sld [smem:$0x3FA7]  }
0x30: {  	s3 =	sld [smem:$0x3FAA]  }
0x31: {  	[smem:$0x3FB3] =	sst s10  }
0x32: {  	s10 =	sld [smem:$0x3FB1];
	_ =	sdelay $0x3  }
0x33: {  	p0 =	seq.s32 s10, $0x1;
	s10 =	sld [smem:$0x3FB3];
	_ =	sdelay $0x3  }
0x34: {  	[smem:$0x3FB3] =	sst s10  }
0x35: {  	s10 =	sld [smem:$0x3FB2];
	_ =	sdelay $0x3  }
0x36: {  	p1 =	seq.s32 s10, $0x1;
	s10 =	sld [smem:$0x3FB3];
	_ =	sdelay $0x3  }
0x37: {  	[smem:$0x3FB3] =	sst s10  }
0x38: {  	s10 =	sld [smem:$0x3FB4]  }
0x39: {  	_ = 	snop;
	(pc) =	sbr.ind lr, $3  }
0x3a: {  	_ = 	snop  }
0x3b: {  	_ = 	snop  }
0x3c: {  	p2 =	seq.s32 s10, $0x1;
	s10 =	sld [smem:$0x3FB3]  }
0x3d: {  	_ =	shalt  }
0x3e: {  	_ =	shalt  }
0x3f: {  	_ =	shalt  }
0x40: {  	_ =	shalt  }
0x41: {  	_ =	shalt  }
0x42: {  	_ =	shalt  }
0x43: {  	_ =	shalt  }
0x44: {  	_ =	shalt  }
0x45: {  	_ =	shalt  }
0x46: {  	_ =	shalt  }
0x47: {  	_ =	shalt  }
0x48: {  	_ =	shalt  }
0x49: {  	_ =	shalt  }
0x4a: {  	_ =	shalt  }
0x4b: {  	_ =	shalt  }
0x4c: {  	_ =	shalt  }
0x4d: {  	_ =	shalt  }
0x4e: {  	_ =	shalt  }
0x4f: {  	_ =	shalt  }
0x50: {  	_ =	shalt  }
0x51: {  	_ =	shalt  }
0x52: {  	_ =	shalt  }
0x53: {  	_ =	shalt  }
0x54: {  	_ =	shalt  }
0x55: {  	_ =	shalt  }
0x56: {  	_ =	shalt  }
0x57: {  	_ =	shalt  }
0x58: {  	_ =	shalt  }
0x59: {  	_ =	shalt  }
0x5a: {  	_ =	shalt  }
0x5b: {  	_ =	shalt  }
0x5c: {  	_ =	shalt  }
0x5d: {  	_ =	shalt  }
0x5e: {  	_ =	shalt  }
0x5f: {  	_ =	shalt  }
0x60: {  	_ =	shalt  }
0x61: {  	_ =	shalt  }
0x62: {  	_ =	shalt  }
0x63: {  	_ =	shalt  }
0x64: {  	_ =	shalt  }
0x65: {  	_ =	shalt  }
0x66: {  	_ =	shalt  }
0x67: {  	_ =	shalt  }
0x68: {  	_ =	shalt  }
0x69: {  	_ =	shalt  }
0x6a: {  	_ =	shalt  }
0x6b: {  	_ =	shalt  }
0x6c: {  	_ =	shalt  }
0x6d: {  	_ =	shalt  }
0x6e: {  	_ =	shalt  }
0x6f: {  	_ =	shalt  }
0x70: {  	_ =	shalt  }
0x71: {  	_ =	shalt  }
0x72: {  	_ =	shalt  }
0x73: {  	_ =	shalt  }
0x74: {  	_ =	shalt  }
0x75: {  	_ =	shalt  }
0x76: {  	_ =	shalt  }
0x77: {  	_ =	shalt  }
0x78: {  	_ =	shalt  }
0x79: {  	_ =	shalt  }
0x7a: {  	_ =	shalt  }
0x7b: {  	_ =	shalt  }
0x7c: {  	_ =	shalt  }
0x7d: {  	_ =	shalt  }
0x7e: {  	_ =	shalt  }
0x7f: {  	_ =	shalt  }
0x80: {  	_ =	shalt  }
0x81: {  	_ =	shalt  }
0x82: {  	_ =	shalt  }
0x83: {  	_ =	shalt  }
0x84: {  	_ =	shalt  }
0x85: {  	_ =	shalt  }
0x86: {  	_ =	shalt  }
0x87: {  	_ =	shalt  }
.Lfunc_end0:
.L_simem_size_0:
called_computation_lowered:
.L_overlay_start_0:
0x88: {  	s2 =	sld [smem:$0x3FD9]  }
0x89: {  	s3 =	sld [smem:$0x3FFE];
	_ =	sdelay $0x1  }
0x8a: {  	s1 =	srdreg.scid  }
0x8b: {  	s0 =	sand.u32 $0x1, s1  }
0x8c: {  	s16 =	sshll.u32 s0, $0xA;
	s2 =	sadd.s32 s3, s2  }
0x8d: {  	s2 =	sadd.s32 s2, s16  }
0x8e: {  	[smem:$0x3FBF] =	sst s2  }
0x8f: {  	_ = 	snop  }
0x90: {  	(tm) =	ssettm $0x1  }
0x91: {  	s17 =	sld [smem:$0x3FFB];
	_ =	sdelay $0x3  }
0x92: {  	_ =	strace s17  }
0x93: {  	s2 =	sld [smem:$0x3FFC];
	_ =	sdelay $0x3  }
0x94: {  	_ =	strace s2  }
0x95: {  	s2 =	sld [smem:$0x3FFD];
	_ =	sdelay $0x3  }
0x96: {  	_ =	strace s2  }
0x97: {  	_ =	strace $0x8FFFFFFF  }
0x98: {  	s18 =	sld [smem:$0x3FDB];
	_ =	sdelay $0x1  }
0x99: {  	s19 =	simm.s32 $_scs_section_size  }
0x9a: {  	s4 =	simm.s32 $_size__tile_overlayer_lowered;
	s5 =	simm.s32 $_tile_overlayer_lowered  }
0x9b: {  	s22 =	simm.s32 $0x1BFF;
	s21 =	sshll.u32 s5, $0x1;
	s2 =	sadd.s32 s19, s18  }
0x9c: {  	s6 =	simm.s32 $0x0;
	s20 =	sshll.u32 s4, $0x1;
	s4 =	sadd.s32 s21, s2  }
0x9d: {  	[timem:s6], [sflag:s22] =	dma.local [hbm:s4], s20  }
0x9e: {  	_ =	swait.ge [sflag:s22], s20  }
0x9f: {  	s3 =	ssub.s32 $0x0, s20;
	[sflag:s22] =	ssyncset.done $0x0  }
0xa0: {  	[sflag:s22] =	ssyncadd.s32 s3;
	_ =	sdelay $0x1  }
0xa1: {  	s23 =	simm.s32 $0x1B8B  }
0xa2: {  	_ =	swait.ge [sflag:s23], $0x1  }
0xa3: {  	[sflag:s23] =	ssyncset.done $0x0  }
0xa4: {  	s25 =	simm.s32 $0x1B8E;
	s24 =	sld [smem:$0x3FFE];
	[sflag:s23] =	ssyncadd.s32 $0xFFFFFFFF  }
0xa5: {  	s26 =	simm.s32 $execute0_lowered;
	[smem:$0x3FD2] =	sst s25  }
0xa6: {  	s4 =	sshll.u32 s26, $0x1;
	_ =	strace $0x80000046;
	[dreg:$0x1] =	wrdreg $0xFFFFFFFF  }
0xa7: {  	s28 =	simm.s32 $_size_execute0_lowered;
	s2 =	sadd.s32 s2, s4;
	[dreg:$0x0] =	wrdreg $0x0  }
0xa8: {  	s4 =	sshll.u32 s28, $0x1;
	[dreg:$0x2] =	wrdreg s2  }
0xa9: {  	[dreg:$0x3] =	wrdreg s4  }
0xaa: {  	[dreg:$0x4] =	wrdreg $0xC0  }
0xab: {  	_ =	task [dreg:s6], $0x5FFFF  }
0xac: {  	[dreg:$0x1] =	wrdreg $0xFFFFFFFF  }
0xad: {  	[dreg:$0x0] =	wrdreg $0x60  }
0xae: {  	[dreg:$0x2] =	wrdreg s24  }
0xaf: {  	[dreg:$0x3] =	wrdreg $0x0  }
0xb0: {  	[dreg:$0x4] =	wrdreg $0x9  }
0xb1: {  	_ =	task.clear_ibuf [dreg:s6], $0x5FFFF;
	_ =	strace $0x90000046  }
0xb2: {  	s29 =	simm.s32 $0x9;
	_ =	strace $0x80000048  }
0xb3: {  	_ =	swait.ge [sflag:s29], $0x1  }
0xb4: {  	[sflag:s29] =	ssyncadd.s32 $0xFFFFFFFF  }
0xb5: {  	_ =	strace $0x90000048  }
0xb6: {  	_ =	sfence  }
0xb7: {  	s30 =	sld [smem:$0x0];
	_ =	sdelay $0x2  }
0xb8: {  	s31 =	sshll.u32 s1, $0xD;
	s1 =	sshrl.u32 s1, $0x2  }
0xb9: {  	s3 =	sand.u32 $0x4000, s31;
	s1 =	sadd.s32 s1, s30  }
0xba: {  	s0 =	sor.u32 s3, s0;
	s1 =	sshll.u32 s1, $0x11  }
0xbb: {  	s0 =	sor.u32 s1, s0  }
0xbc: {  	s0 =	sadd.s32 $0x8F2B, s0  }
0xbd: {  	[sflag:s0] =	ssyncadd.remote.s32 $0x1  }
0xbe: {  	_ =	sfence.sel $0xFFFF  }
0xbf: {  	[dreg:$0x0] =	wrdreg $0xFFFFFFFF;
	(pc) =	sbr.abs _section_cstart, $3  }
0xc0: {  	[dreg:$0x1] =	wrdreg $0xFFFFFFFF  }
0xc1: {  	_ =	task.clear_ibuf [dreg:s6], $0x2FFFF;
	_ =	strace $0x9FFFFFFF  }
0xc2: {  	(tm) =	ssettm $0x7FFFFFFF  }
0xc3: {  	_ =	shalt  }
tec
execute0_lowered:
.L_overlay_start_1:
0x0: {  	(tag) =	ssettag $0x1  }
0x1: {  	s4 =	rddreg [dreg:$0x0]  }
0x2: {  	s2 =	rddreg [dreg:$0x1]  }
0x3: {  	s0 =	srdreg.scid;
	s1 =	rddreg [dreg:$0x2];
	s3 =	simm.s32 $0x0  }
0x4: {  	s14 =	simm.s32 $0x80;
	s15 =	simm.s32 $0x2810;
	s5 =	sand.u32 $0x1, s0  }
0x5: {  	s16 =	simm.s32 $0x2790;
	s0 =	stileid.u32;
	s6 =	smul.u32 $0x27100, s5  }
0x6: {  	s17 =	simm.s32 $0x10;
	s18 =	simm.s32 $0x0;
	s7 =	smul.u32 $0x2710, s0  }
0x7: {  	[smem:$0x7FF] =	sst s3;
	s13 =	sadd.s32 $0x15A00, s4;
	s8 =	smul.u32 $0x4E000, s0  }
0x8: {  	_ =	strace $0x80000047;
	s29 =	ssub.s32 $0x2, s5;
	s9 =	smul.u32 $0x2700, s0  }
0x9: {  	s12 =	smul.u32 $0x138800, s5;
	s5 =	sadd.s32 $0x138000, s2;
	p0 =	sne.s32 s0, $0xF  }
0xa: {  	s11 =	sshrl.u32 s29, $0x1;
	s7 =	sadd.s32 s7, s6;
	s8 =	sshrl.u32 s8, $0x2  }
0xb: {  	s11 =	ssub.s32 s29, s11;
	s30 =	sadd.s32 s9, s6;
	s31 =	sshrl.u32 s12, $0x3  }
0xc: {  	s12 =	simm.s32 $0x1;
	s7 =	sshrl.u32 s7, $0x3;
	s9 =	smax.u32 s11, $0x1  }
0xd: {  	s11 =	simm.s32 $0x6810;
	s10 =	sadd.s32 s7, s4;
	s4 =	sadd.s32 s8, s2  }
0xe: {  	v0 =	vimm.f32 $0.0e+00;
	vm0 =	vcmask $0x300;
	s7 =	sadd.s32 s13, s30;
	s8 =	sadd.s32 s13, s31;
	s13 =	simm.s32 $0x2710  }
0xf: {  	v1 =	vsel vm0, $0x3F800000, v0;
	s6 =	sadd.s32 $0xC0E0, s10;
	s8 =	sadd.s32 $0x27000, s8;
	s10 =	sadd.s32 $0xBC00, s10  }
.LBB2_1:
0x10: {  	s19 =	simm.s32 $0x0  }
.LBB2_2:
0x11: {  	p1 =	sne.s32 s19, $0xFE00  }
.Ltmp0:
0x12: {  	_ = 	snop;
	(pc) =	sbr.rel @p1 .LBB2_2-.Ltmp0, $3  }
0x13: {  	_ =	sdelay $0x1  }
0x14: {  	s20 =	sshra.s32 s19, $0x2  }
0x15: {  	s19 =	sadd.s32 $0x200, s19;
	[tilespmem:s20+$0x2810] =	vst v1  }
0x16: {  	s19 =	simm.s32 $0x200;
	s20 =	simm.s32 $0x0  }
.LBB2_4:
0x17: {  	p1 =	sne.s32 s19, $0x4DE00;
	[tilespmem:s20+$0x6810] =	vst v0;
	s20 =	smov.u32 s19;
	s19 =	sadd.s32 $0x200, s19  }
.Ltmp1:
0x18: {  	(pc) =	sbr.rel @p1 .LBB2_4-.Ltmp1, $2  }
0x19: {  	_ =	sdelay $0x2  }
0x1a: {  	s20 =	sshra.s32 s20, $0x2  }
0x1b: {  	[tilespmem:s20+$0x6810] =	vst v0  }
0x1c: {  	[spmem:s4] =	stream.linear.scatter [tilespmem:s11], [sflag:$0x1], $0x13800, $0x38;
	[tilespmem:$0x1A010] =	vst v63  }
0x1d: {  	_ =	swait.ge [sflag:s12], $0x13800  }
0x1e: {  	[sflag:s12] =	ssyncset.done $0x0  }
0x1f: {  	s19 =	simm.s32 @!p0 $0x6810;
	[sflag:s12] =	ssyncadd.s32 $0xFFFEC800  }
0x20: {  	[spmem:s5] =	stream.linear.scatter @!p0 [tilespmem:s19], [sflag:$0x1], $0x800, $0x38;
	[tilespmem:$0x1A010] =	vst v63  }
0x21: {  	s19 =	simm.s32 @!p0 $0x1  }
0x22: {  	_ =	swait.ge @!p0 [sflag:s19], $0x800  }
0x23: {  	[sflag:s19] =	ssyncset.done @!p0 $0x0  }
0x24: {  	[sflag:s19] =	ssyncadd.s32 @!p0 $0xFFFFF800  }
0x25: {  	s31 =	sadd.s32 $0x0, s10;
	[bflag:$0x0] =	sbarrier.arrive $0xFFFF  }
0x26: {  	[tilespmem:s13], [sflag:$0x1] =	stream.linear.gather [hbm4b:s31+s3], $0x80, $0x38;
	[tilespmem:$0x1A010] =	vst v63  }
0x27: {  	_ =	swait.ge [sflag:s12], $0x80  }
0x28: {  	[sflag:s12] =	ssyncset.done $0x0  }
0x29: {  	[sflag:s12] =	ssyncadd.s32 $0xFFFFFF80  }
0x2a: {  	[spmem:s2] =	stream.indirect.scatter.add.f32 [tilespmem:s15], [sflag:$0x1], $0x10, s13, s14, $0xb8;
	[tilespmem:$0x1A010] =	vst v63  }
0x2b: {  	_ =	swait.ge [sflag:s12], $0x800  }
0x2c: {  	s20 =	simm.s32 $0x20;
	s19 =	simm.s32 $0x10;
	[sflag:s12] =	ssyncset.done $0x0  }
.LBB2_6:
0x2d: {  	s21 =	sadd.s32 s19, s10  }
0x2e: {  	[sflag:s12] =	ssyncadd.s32 $0xFFFFF800;
	s19 =	smov.u32 s20;
	s22 =	sadd.s32 $0x10, s20  }
0x2f: {  	[tilespmem:s13], [sflag:$0x1] =	stream.linear.gather [hbm4b:s21+s3], $0x80, $0x38;
	[tilespmem:$0x1A010] =	vst v63  }
0x30: {  	p1 =	sne.s32 s20, $0x4D0;
	_ =	swait.ge [sflag:s12], $0x80  }
.Ltmp2:
0x31: {  	[sflag:s12] =	ssyncset.done $0x0;
	(pc) =	sbr.rel @p1 .LBB2_6-.Ltmp2, $4  }
0x32: {  	[sflag:s12] =	ssyncadd.s32 $0xFFFFFF80  }
0x33: {  	[spmem:s2] =	stream.indirect.scatter.add.f32 [tilespmem:s15], [sflag:$0x1], $0x10, s13, s14, $0xb8;
	[tilespmem:$0x1A010] =	vst v63  }
0x34: {  	_ =	swait.ge [sflag:s12], $0x800  }
0x35: {  	s20 =	smov.u32 s22;
	[sflag:s12] =	ssyncset.done $0x0  }
0x36: {  	s19 =	sadd.s32 s19, s10;
	[sflag:s12] =	ssyncadd.s32 $0xFFFFF800  }
0x37: {  	[tilespmem:s13], [sflag:$0x1] =	stream.linear.gather [hbm4b:s19+s3], $0x80, $0x38;
	[tilespmem:$0x1A010] =	vst v63  }
0x38: {  	_ =	swait.ge [sflag:s12], $0x80  }
0x39: {  	[sflag:s12] =	ssyncset.done $0x0  }
0x3a: {  	[sflag:s12] =	ssyncadd.s32 $0xFFFFFF80  }
0x3b: {  	[spmem:s2] =	stream.indirect.scatter.add.f32 [tilespmem:s15], [sflag:$0x1], $0x10, s13, s14, $0xb8;
	[tilespmem:$0x1A010] =	vst v63  }
0x3c: {  	_ =	swait.ge [sflag:s12], $0x800  }
0x3d: {  	[sflag:s12] =	ssyncset.done $0x0  }
0x3e: {  	[sflag:s12] =	ssyncadd.s32 $0xFFFFF800  }
0x3f: {  	[tilespmem:s16], [sflag:$0x1] =	stream.linear.gather [hbm4b:s6+s3], $0x10, $0x38;
	[tilespmem:$0x1A010] =	vst v63  }
0x40: {  	_ =	swait.ge [sflag:s12], $0x10  }
0x41: {  	[sflag:s12] =	ssyncset.done $0x0  }
0x42: {  	[sflag:s12] =	ssyncadd.s32 $0xFFFFFFF0  }
0x43: {  	[spmem:s2] =	stream.indirect.scatter.add.f32 [tilespmem:s15], [sflag:$0x1], $0x10, s16, s17, $0xb8;
	[tilespmem:$0x1A010] =	vst v63  }
0x44: {  	_ =	swait.ge [sflag:s12], $0x100  }
0x45: {  	[sflag:s12] =	ssyncset.done $0x0  }
0x46: {  	s31 =	sshll.u32 s0, $0x6;
	[sflag:s12] =	ssyncadd.s32 $0xFFFFFF00  }
0x47: {  	s20 =	sshrl.u32 s4, $0x3;
	s19 =	sor.u32 $0x1C01, s31;
	[bflag:$0x0] =	sbarrier.arrive $0xFFFF  }
0x48: {  	[hbm:s7], [sflag:s19] =	dma.local [spmem:s20], $0x2700  }
0x49: {  	_ =	swait.ge [sflag:s12], $0x2700  }
0x4a: {  	s18 =	sadd.s32 $0x1, s18;
	[sflag:s12] =	ssyncset.done $0x0  }
0x4b: {  	p1 =	sne.s32 s18, s9;
	s20 =	sshrl.u32 @!p0 s5, $0x3;
	[sflag:s12] =	ssyncadd.s32 $0xFFFFD900  }
0x4c: {  	[hbm:s8], [sflag:s19] =	dma.local @!p0 [spmem:s20], $0x100  }
.Ltmp3:
0x4d: {  	_ = 	snop;
	(pc) =	sbr.rel @p1 .LBB2_1-.Ltmp3, $4  }
0x4e: {  	s19 =	simm.s32 @!p0 $0x1  }
0x4f: {  	_ =	swait.ge @!p0 [sflag:s19], $0x100  }
0x50: {  	[sflag:s19] =	ssyncset.done @!p0 $0x0  }
0x51: {  	[sflag:s19] =	ssyncadd.s32 @!p0 $0xFFFFFF00  }
0x52: {  	_ =	sfence.sel $0x180000  }
0x53: {  	[bflag:$0x0] =	sbarrier.arrive $0xFFFF  }
0x54: {  	p0 =	sne.s32 s0, $0x0;
	_ =	strace $0x90000047  }
0x55: {  	s0 =	sadd.s32 @!p0 $0x100000, s1;
	[bflag:$0x2] =	sbarrier.arrive $0xFFFF  }
0x56: {  	[sflag:s0] =	ssyncadd.tile.s32 @!p0 $0x1;
	_ =	shalt  }
.Lfunc_end2:
_tile_overlayer_lowered:
.L_overlay_start_2:
0x57: {  	(tag) =	ssettag $0x2  }
0x58: {  	s0 =	rddreg [dreg:$0x0];
	s2 =	stileid.u32  }
0x59: {  	s1 =	rddreg [dreg:$0x1];
	p0 =	sne.s32 s2, $0x0  }
0x5a: {  	s3 =	rddreg [dreg:$0x2];
	[bflag:$0x3] =	sbarrier.arrive $0xFFFF;
	s2 =	simm.s32 @!p0 $0x1C01  }
0x5b: {  	[timem:s3], [sflag:s2] =	dma.local @!p0 [hbm:s0], s1  }
0x5c: {  	s0 =	simm.s32 @!p0 $0x1  }
0x5d: {  	_ =	swait.ge @!p0 [sflag:s0], s1  }
0x5e: {  	s1 =	ssub.s32 @!p0 $0x0, s1;
	[sflag:s0] =	ssyncset.done @!p0 $0x0  }
0x5f: {  	[sflag:s0] =	ssyncadd.s32 @!p0 s1  }
0x60: {  	[bflag:$0x3] =	sbarrier.arrive $0xFFFF  }
0x61: {  	_ =	shalt  }

</sc_bundles>
